<compile_context>
chip_gen: v7x
topology: tpu7x:2x2x1
jax: 0.10.2.dev20260603
libtpu: 0.0.44.dev20260713+nightly
codegen_flags: <defaults>
</compile_context>

<pallas_src>
import functools

import jax
import jax.numpy as jnp
from jax import lax
from jax.experimental import pallas as pl
from jax.experimental.pallas import tpu as pltpu
from jax.experimental.pallas import tpu_sc as plsc


_K = 512
_D = 128
_RB = 128
_N_FLAT = 8 * 28 * 28


def _vq_body(flat_ref, cb_ref, idx_ref, oh_ref, q_ref):
    flat = flat_ref[...]
    cb = cb_ref[...]
    rn = jnp.sum(flat ** 2, axis=1, keepdims=True)
    cn = jnp.sum(cb ** 2, axis=1)
    prod = lax.dot_general(flat, cb, (((1,), (1,)), ((), ())),
                           preferred_element_type=jnp.float32)
    d = rn - 2.0 * prod + cn[None, :]
    dmin = jnp.min(d, axis=1, keepdims=True)
    iota = lax.broadcasted_iota(jnp.int32, d.shape, 1)
    idxv = jnp.min(jnp.where(d == dmin, iota, _K), axis=1)
    oh = (iota == idxv[:, None]).astype(jnp.float32)
    oh_ref[...] = oh
    idx_ref[...] = idxv.reshape(1, 1, _RB)
    q_ref[...] = lax.dot_general(oh, cb, (((1,), (0,)), ((), ())),
                                 preferred_element_type=jnp.float32)


def _vq_tc(flat, codebook):
    nblk = _N_FLAT // _RB
    idx3, onehot, qtc = pl.pallas_call(
        _vq_body,
        grid=(nblk,),
        in_specs=[
            pl.BlockSpec((_RB, _D), lambda i: (i, 0)),
            pl.BlockSpec((_K, _D), lambda i: (0, 0)),
        ],
        out_specs=[
            pl.BlockSpec((1, 1, _RB), lambda i: (i, 0, 0)),
            pl.BlockSpec((_RB, _K), lambda i: (i, 0)),
            pl.BlockSpec((_RB, _D), lambda i: (i, 0)),
        ],
        out_shape=[
            jax.ShapeDtypeStruct((nblk, 1, _RB), jnp.int32),
            jax.ShapeDtypeStruct((_N_FLAT, _K), jnp.float32),
            jax.ShapeDtypeStruct((_N_FLAT, _D), jnp.float32),
        ],
    )(flat, codebook)
    return idx3.reshape(_N_FLAT), onehot, qtc



_NW = 32
_BPAD = 6400
_BPW = _BPAD // _NW


def _sc_gather(codebook, idx_pad):
    mesh = plsc.VectorSubcoreMesh(core_axis_name="c", subcore_axis_name="s")

    @functools.partial(
        pl.kernel, mesh=mesh,
        out_type=jax.ShapeDtypeStruct((_BPAD, _D), jnp.float32),
        scratch_types=[
            pltpu.VMEM((_BPW,), jnp.int32),
            pltpu.VMEM((_BPW, _D), jnp.float32),
            pltpu.SemaphoreType.DMA,
        ],
    )
    def k(table_hbm, idx_hbm, out_hbm, idx_v, rows_v, sem):
        wid = lax.axis_index("s") * 2 + lax.axis_index("c")
        base = wid * _BPW
        pltpu.sync_copy(idx_hbm.at[pl.ds(base, _BPW)], idx_v)
        pltpu.async_copy(table_hbm.at[idx_v], rows_v, sem).wait()
        pltpu.sync_copy(rows_v, out_hbm.at[pl.ds(base, _BPW)])

    return k(codebook, idx_pad)




def _collapse_w(w4):
    re = jnp.stack([w4[0], w4[1] + w4[2], w4[3]], axis=0)
    ro = jnp.stack([w4[0] + w4[1], w4[2] + w4[3]], axis=0)

    def colc(wr):
        ce = jnp.stack([wr[:, 0], wr[:, 1] + wr[:, 2], wr[:, 3]], axis=1)
        co = jnp.stack([wr[:, 0] + wr[:, 1], wr[:, 2] + wr[:, 3]], axis=1)
        return ce, co

    wee, weo = colc(re)
    woe, woo = colc(ro)
    ci, co = w4.shape[2], w4.shape[3]

    def m(w):
        t, s = w.shape[0], w.shape[1]
        if s == 3:
            w = w[:, jnp.array([1, 2, 0])]
        w = w.reshape(t, s * ci, co)
        if s == 2:
            w = jnp.concatenate([w, jnp.zeros((t, ci, co), jnp.float32)], 1)
        return w

    wee, weo, woe, woo = m(wee), m(weo), m(woe), m(woo)
    z1 = jnp.zeros((1, 3 * ci, co), jnp.float32)
    woe = jnp.concatenate([z1, woe], axis=0)
    woo = jnp.concatenate([z1, woo], axis=0)
    return jnp.concatenate([wee, weo, woe, woo], axis=2)


def _dec_stage_body(Hc, W, Ci, Co, apply_act, rc,
                    x_ref, a_ref, c_ref, wcat_ref, b_ref,
                    ue_ref, uo_ref, st_ref):
    xr = x_ref[0, 0]
    if apply_act:
        xr = jnp.maximum(xr * a_ref[0] + c_ref[0], 0.0)
        k = pl.program_id(1)
        r = lax.broadcasted_iota(jnp.int32, (Hc + 2, 1, 1), 0)
        valid = ((r != 0) | (k != 0)) & ((r != Hc + 1) | (k != rc - 1))
        xr = jnp.where(valid, xr, 0.0)
    zc = jnp.zeros((Hc + 2, 1, Ci), jnp.float32)
    xp = jnp.concatenate([zc, xr, zc], axis=1)
    c3 = jnp.concatenate([xp[:, 1:W + 1], xp[:, 2:W + 2], xp[:, 0:W]],
                         axis=-1)

    def mm(slab, wh, wl):
        s = slab.reshape(Hc * W, 3 * Ci)
        hi = s.astype(jnp.bfloat16)
        lo = (s - hi.astype(jnp.float32)).astype(jnp.bfloat16)
        dn = (((1,), (0,)), ((), ()))
        return (lax.dot_general(hi, wh, dn, preferred_element_type=jnp.float32)
                + (lax.dot_general(hi, wl, dn,
                                   preferred_element_type=jnp.float32)
                   + lax.dot_general(lo, wh, dn,
                                     preferred_element_type=jnp.float32)))

    wh, wl = wcat_ref[0], wcat_ref[1]
    p = mm(c3[0:Hc], wh[0], wl[0]) + mm(c3[1:Hc + 1], wh[1], wl[1]) \
        + mm(c3[2:Hc + 2], wh[2], wl[2]) + b_ref[0]
    ue_ref[0, 0] = p[:, :2 * Co].reshape(Hc, W, 2 * Co)
    uo_ref[0, 0] = p[:, 2 * Co:].reshape(Hc, W, 2 * Co)
    st_ref[0, 0, 0] = jnp.sum(p, axis=0)
    st_ref[0, 0, 1] = jnp.sum(p * p, axis=0)


def _dec_stage(x, a, c, w4, bias, apply_act, rc=1):
    B, H, W, Ci = x.shape
    Co = w4.shape[-1]
    Hc = H // rc
    wcat = _collapse_w(w4)
    wh = wcat.astype(jnp.bfloat16)
    wcat2 = jnp.stack([wh, (wcat - wh.astype(jnp.float32)
                            ).astype(jnp.bfloat16)])
    bias4 = jnp.tile(bias, 4).reshape(1, 4 * Co)
    xpad = jnp.pad(x, ((0, 0), (1, 1), (0, 0), (0, 0)))
    if rc > 1:
        win = jnp.stack([xpad[:, k * Hc:k * Hc + Hc + 2] for k in range(rc)],
                        axis=1)
    else:
        win = xpad[:, None]
    body = functools.partial(_dec_stage_body, Hc, W, Ci, Co, apply_act, rc)
    full = lambda s: pl.BlockSpec(s, lambda b, k: tuple(0 for _ in s))
    outs = pl.pallas_call(
        body,
        grid=(B, rc),
        in_specs=[
            pl.BlockSpec((1, 1, Hc + 2, W, Ci), lambda b, k: (b, k, 0, 0, 0)),
            full((1, Ci)), full((1, Ci)),
            full((2, 3, 3 * Ci, 4 * Co)), full((1, 4 * Co)),
        ],
        out_specs=[
            pl.BlockSpec((1, 1, Hc, W, 2 * Co), lambda b, k: (b, k, 0, 0, 0)),
            pl.BlockSpec((1, 1, Hc, W, 2 * Co), lambda b, k: (b, k, 0, 0, 0)),
            pl.BlockSpec((1, 1, 2, 4 * Co), lambda b, k: (b, k, 0, 0)),
        ],
        out_shape=[
            jax.ShapeDtypeStruct((B, rc, Hc, W, 2 * Co), jnp.float32),
            jax.ShapeDtypeStruct((B, rc, Hc, W, 2 * Co), jnp.float32),
            jax.ShapeDtypeStruct((B, rc, 2, 4 * Co), jnp.float32),
        ],
    )(win, a.reshape(1, Ci), c.reshape(1, Ci), wcat2, bias4)
    ue, uo, st = outs
    ue = ue.reshape(B, H, W, 2 * Co)
    uo = uo.reshape(B, H, W, 2 * Co)
    o = jnp.stack([ue, uo], axis=2)
    st = jnp.sum(st, axis=(0, 1)).reshape(2, 4, Co).sum(axis=1)
    return o.reshape(B, 2 * H, 2 * W, Co), st


def _bn_coeffs(stats, n, gamma, beta, eps=1e-5):
    m = stats[0] / n
    v = stats[1] / n - m * m
    a = gamma / jnp.sqrt(v + eps)
    return a, beta - m * a


def _out_body(x_ref, a_ref, c_ref, w5_ref, bo_ref, rec_ref):
    HO, WO = 55, 220
    x = jnp.maximum(x_ref[0, 0] * a_ref[0] + c_ref[0], 0.0)
    r5 = jnp.concatenate([x[u:u + HO] for u in range(5)], axis=-1)
    s = r5.reshape(HO * 224, 160)
    hi = s.astype(jnp.bfloat16)
    lo = (s - hi.astype(jnp.float32)).astype(jnp.bfloat16)
    dn = (((1,), (0,)), ((), ()))
    g5 = (lax.dot_general(hi, w5_ref[0], dn,
                          preferred_element_type=jnp.float32)
          + (lax.dot_general(hi, w5_ref[1], dn,
                             preferred_element_type=jnp.float32)
             + lax.dot_general(lo, w5_ref[0], dn,
                               preferred_element_type=jnp.float32)))
    g5 = g5.reshape(HO, 224, 8)
    li = lax.broadcasted_iota(jnp.int32, (1, 1, 8), 2)
    acc5 = jnp.zeros((HO, WO, 8), jnp.float32)
    for v in range(5):
        acc5 = acc5 + jnp.where(li == v, g5[:, v:v + WO, :], 0.0)
    rec_ref[0, 0] = jnp.maximum(jnp.sum(acc5, axis=2) + bo_ref[0, 0], 0.0)


def _dec_out(x, a, c, wo, bo):
    B = x.shape[0]
    w5f = jnp.concatenate(
        [jnp.transpose(wo[:, :, :, 0], (0, 2, 1)).reshape(160, 5),
         jnp.zeros((160, 3), jnp.float32)], axis=1)
    w5h = w5f.astype(jnp.bfloat16)
    w5 = jnp.stack([w5h, (w5f - w5h.astype(jnp.float32)
                          ).astype(jnp.bfloat16)])
    win = jnp.stack([x[:, 55 * k:55 * k + 59] for k in range(4)], axis=1)
    rec = pl.pallas_call(
        _out_body,
        grid=(B, 4),
        in_specs=[
            pl.BlockSpec((1, 1, 59, 224, 32), lambda b, k: (b, k, 0, 0, 0)),
            pl.BlockSpec((1, 32), lambda b, k: (0, 0)),
            pl.BlockSpec((1, 32), lambda b, k: (0, 0)),
            pl.BlockSpec((2, 160, 8), lambda b, k: (0, 0, 0)),
            pl.BlockSpec((1, 1), lambda b, k: (0, 0)),
        ],
        out_specs=pl.BlockSpec((1, 1, 55, 220), lambda b, k: (b, k, 0, 0)),
        out_shape=jax.ShapeDtypeStruct((B, 4, 55, 220), jnp.float32),
    )(win, a.reshape(1, 32), c.reshape(1, 32), w5, bo.reshape(1, 1))
    return rec.reshape(B, 220, 220, 1)



def _conv(x, w, b, stride=1, padding='SAME'):
    y = lax.conv_general_dilated(x, w, (stride, stride), padding,
                                 dimension_numbers=('NHWC', 'HWIO', 'NHWC'))
    return y + b


def kernel(img, We1, be1, We2, be2, We3, be3, codebook,
           Wd1, bd1, g1, bb1, Wd2, bd2, g2, bb2, Wd3, bd3, g3, bb3, Wo, bo):
    x = _conv(img, We1, be1, 2)
    x = _conv(x, We2, be2, 2)
    encoded = _conv(x, We3, be3, 2)

    flat = encoded.reshape((-1, _D))
    idx, discrete, qtc = _vq_tc(flat, codebook)

    idx_pad = jnp.concatenate(
        [idx, jnp.zeros((_BPAD - _N_FLAT,), jnp.int32)])
    qflat = _sc_gather(codebook, idx_pad)[:_N_FLAT]
    quantized = qflat.reshape(encoded.shape)
    q_dec = qtc.reshape(encoded.shape)

    zero128 = jnp.zeros((128,), jnp.float32)
    one128 = jnp.ones((128,), jnp.float32)
    o1, st1 = _dec_stage(q_dec, one128, zero128, Wd1, bd1, False)
    a1, c1 = _bn_coeffs(st1, 8 * 56 * 56, g1, bb1)
    o2, st2 = _dec_stage(o1, a1, c1, Wd2, bd2, True)
    a2, c2 = _bn_coeffs(st2, 8 * 112 * 112, g2, bb2)
    o3, st3 = _dec_stage(o2, a2, c2, Wd3, bd3, True, rc=4)
    a3, c3 = _bn_coeffs(st3, 8 * 224 * 224, g3, bb3)
    rec = _dec_out(o3, a3, c3, Wo, bo)
    return (rec, encoded, discrete, quantized)

# --- scband reference (transcript-rebuilt; emitter-appended) ---
"""Pipeline reference for scband-vqvae-51616916963571 (READ-ONLY COPY).

The authoritative reference and input builder live on the scoring server;
editing this copy changes nothing except your own understanding.
"""

import jax, jax.numpy as jnp
import numpy as np
from jax import lax


def _conv(x, w, b, stride=1, padding='SAME'):
    y = lax.conv_general_dilated(x, w, (stride, stride), padding,
                                 dimension_numbers=('NHWC', 'HWIO', 'NHWC'))
    return y + b


def _bn(x, gamma, beta, eps=1e-5):
    m = jnp.mean(x, axis=(0, 1, 2), keepdims=True)
    v = jnp.var(x, axis=(0, 1, 2), keepdims=True)
    return gamma * (x - m) / jnp.sqrt(v + eps) + beta


def _upsample(x):
    # nearest-neighbor 2x upsample (UpSample module)
    return jnp.repeat(jnp.repeat(x, 2, axis=1), 2, axis=2)


def setup_inputs(seed: int = 0) -> dict:
    key = jax.random.key(seed)
    ks = jax.random.split(key, 16)
    B, H, W = 8, 224, 224
    K, D = 512, 128

    def w(k, shape):
        fan_in = int(np.prod(shape[:-1]))
        return (jax.random.normal(k, shape, jnp.float32)
                * (1.0 / np.sqrt(fan_in))).astype(jnp.float32)

    inp = {
        'img': jax.random.uniform(ks[0], (B, H, W, 1), jnp.float32),
        # encoder
        'We1': w(ks[1], (4, 4, 1, 32)),   'be1': jnp.zeros((32,), jnp.float32),
        'We2': w(ks[2], (4, 4, 32, 64)),  'be2': jnp.zeros((64,), jnp.float32),
        'We3': w(ks[3], (4, 4, 64, 128)), 'be3': jnp.zeros((128,), jnp.float32),
        # codebook
        'codebook': jax.random.normal(ks[4], (K, D), jnp.float32) * 0.05,
        # decoder ConvBlocks (conv + batchnorm + leaky_relu(0.0)==relu)
        'Wd1': w(ks[5], (4, 4, 128, 128)), 'bd1': jnp.zeros((128,), jnp.float32),
        'g1': jnp.ones((128,), jnp.float32), 'bb1': jnp.zeros((128,), jnp.float32),
        'Wd2': w(ks[6], (4, 4, 128, 64)),  'bd2': jnp.zeros((64,), jnp.float32),
        'g2': jnp.ones((64,), jnp.float32), 'bb2': jnp.zeros((64,), jnp.float32),
        'Wd3': w(ks[7], (4, 4, 64, 32)),   'bd3': jnp.zeros((32,), jnp.float32),
        'g3': jnp.ones((32,), jnp.float32), 'bb3': jnp.zeros((32,), jnp.float32),
        # final 5x5 valid conv -> 1 channel
        'Wo': w(ks[8], (5, 5, 32, 1)), 'bo': jnp.zeros((1,), jnp.float32),
    }
    return inp


def reference(img, We1, be1, We2, be2, We3, be3, codebook,
              Wd1, bd1, g1, bb1, Wd2, bd2, g2, bb2, Wd3, bd3, g3, bb3, Wo, bo):
    # Encoder: 3 strided convs (no nonlinearity, per original module)
    x = _conv(img, We1, be1, 2)
    x = _conv(x, We2, be2, 2)
    encoded = _conv(x, We3, be3, 2)  # [B, 28, 28, 128]

    # Vector quantization
    D = codebook.shape[1]
    flat = encoded.reshape((-1, D))
    distances = (jnp.sum(flat ** 2, axis=1, keepdims=True)
                 - 2.0 * jnp.dot(flat, codebook.T)
                 + jnp.sum(codebook ** 2, axis=1))
    idx = jnp.argmin(distances, axis=1)
    discrete = jax.nn.one_hot(idx, codebook.shape[0], dtype=flat.dtype)
    quantized = jnp.dot(discrete, codebook)
    quantized = quantized.reshape(encoded.shape)

    # straight-through estimator
    q_sg = encoded + lax.stop_gradient(quantized - encoded)

    # Decoder: (UpSample -> ConvBlock) x3 -> Conv(1, 5x5, valid) -> relu
    y = _upsample(q_sg)
    y = jax.nn.relu(_bn(_conv(y, Wd1, bd1, 1), g1, bb1))
    y = _upsample(y)
    y = jax.nn.relu(_bn(_conv(y, Wd2, bd2, 1), g2, bb2))
    y = _upsample(y)
    y = jax.nn.relu(_bn(_conv(y, Wd3, bd3, 1), g3, bb3))
    rec = _conv(y, Wo, bo, 1, 'VALID')  # [B, 220, 220, 1]
    rec = jax.nn.relu(rec)
    return (rec, encoded, discrete, quantized)

if __name__ == "__main__":
    import jax
    _d = setup_inputs()
    print(jax.jit(kernel)(*tuple(_d.values())))

</pallas_src>

<mosaic_0001>
#map = affine_map<(d0, d1) -> (0, 0)>
#map1 = affine_map<(d0, d1) -> (0)>
module attributes {stable_mosaic.version = 14 : i64} {
  func.func @k(%arg0: i32, %arg1: i32, %arg2: memref<512x128xf32, #tpu.memory_space<hbm>>, %arg3: memref<6400xi32, #tpu.memory_space<hbm>>, %arg4: memref<6400x128xf32, #tpu.memory_space<hbm>>, %arg5: memref<200xi32, #tpu.memory_space<vmem>>, %arg6: memref<200x128xf32, #tpu.memory_space<vmem>>, %arg7: memref<!tpu.dma_semaphore, #tpu.memory_space<semaphore_mem>>) attributes {dimension_semantics = [#tpu.dimension_semantics<core_parallel>, #tpu.dimension_semantics<subcore_parallel>], iteration_bounds = array<i64: 2, 16>, scalar_prefetch = 0 : i64, scratch_operands = 3 : i64, tpu.core_type = #tpu.core_type<sc_vector_subcore>, window_params = [{transform_indices = #map}, {transform_indices = #map1}, {transform_indices = #map}]} {
    %mul3A = arith.constant 2 : i32
    %mul3A_0 = arith.muli %arg1, %mul3A : i32
    %add3A = arith.addi %mul3A_0, %arg0 : i32
    %mul3A_1 = arith.constant 200 : i32
    %mul3A_2 = arith.muli %add3A, %mul3A_1 : i32
    "tpu.region"() ({
      %run_scoped3A = tpu.sem_alloc : memref<!tpu.dma_semaphore, #tpu.memory_space<semaphore_mem>>
      %dma_start3A_7 = tpu.memref_slice %arg3[%mul3A_2] : memref<6400xi32, #tpu.memory_space<hbm>> -> memref<200xi32, #tpu.memory_space<hbm>>
      %dma_start3A_8 = tpu.memref_slice %arg3[%mul3A_2] : memref<6400xi32, #tpu.memory_space<hbm>> -> memref<200xi32, #tpu.memory_space<hbm>>
      tpu.enqueue_dma source(%dma_start3A_8 : memref<200xi32, #tpu.memory_space<hbm>>) target(%arg5 : memref<200xi32, #tpu.memory_space<vmem>>) target_semaphore(%run_scoped3A : memref<!tpu.dma_semaphore, #tpu.memory_space<semaphore_mem>>)
      %dma_wait3A_9 = tpu.memref_slice %arg3[%mul3A_2] : memref<6400xi32, #tpu.memory_space<hbm>> -> memref<200xi32, #tpu.memory_space<hbm>>
      %dma_wait3A_10 = tpu.memref_slice %arg3[%mul3A_2] : memref<6400xi32, #tpu.memory_space<hbm>> -> memref<200xi32, #tpu.memory_space<hbm>>
      tpu.wait_dma2 semaphore(%run_scoped3A : memref<!tpu.dma_semaphore, #tpu.memory_space<semaphore_mem>>) src(%dma_wait3A_10 : memref<200xi32, #tpu.memory_space<hbm>>) dst(%arg5 : memref<200xi32, #tpu.memory_space<vmem>>)
      tpu.yield
    }) : () -> ()
    %dma_start3A = arith.constant 0 : i32
    %dma_start3A_3 = arith.constant 0 : i32
    %dma_start3A_4 = tpu.memref_slice %arg2[%dma_start3A, %dma_start3A_3] : memref<512x128xf32, #tpu.memory_space<hbm>> -> memref<512x128xf32, #tpu.memory_space<hbm>>
    tpu.enqueue_indirect_dma source(%dma_start3A_4 : memref<512x128xf32, #tpu.memory_space<hbm>>) target(%arg6 : memref<200x128xf32, #tpu.memory_space<vmem>>) offsets(%arg5 : memref<200xi32, #tpu.memory_space<vmem>>) semaphore(%arg7 : memref<!tpu.dma_semaphore, #tpu.memory_space<semaphore_mem>>)
    %dma_wait3A = arith.constant 0 : i32
    %dma_wait3A_5 = arith.constant 0 : i32
    %dma_wait3A_6 = tpu.memref_slice %arg2[%dma_wait3A, %dma_wait3A_5] : memref<512x128xf32, #tpu.memory_space<hbm>> -> memref<512x128xf32, #tpu.memory_space<hbm>>
    tpu.wait_indirect_dma semaphore(%arg7 : memref<!tpu.dma_semaphore, #tpu.memory_space<semaphore_mem>>) src(%dma_wait3A_6 : memref<512x128xf32, #tpu.memory_space<hbm>>) dst(%arg6 : memref<200x128xf32, #tpu.memory_space<vmem>>)
    "tpu.region"() ({
      %run_scoped3A = tpu.sem_alloc : memref<!tpu.dma_semaphore, #tpu.memory_space<semaphore_mem>>
      %dma_start3A_7 = arith.constant 0 : i32
      %dma_start3A_8 = tpu.memref_slice %arg4[%mul3A_2, %dma_start3A_7] : memref<6400x128xf32, #tpu.memory_space<hbm>> -> memref<200x128xf32, #tpu.memory_space<hbm>>
      %dma_start3A_9 = arith.constant 0 : i32
      %dma_start3A_10 = tpu.memref_slice %arg4[%mul3A_2, %dma_start3A_9] : memref<6400x128xf32, #tpu.memory_space<hbm>> -> memref<200x128xf32, #tpu.memory_space<hbm>>
      tpu.enqueue_dma source(%arg6 : memref<200x128xf32, #tpu.memory_space<vmem>>) target(%dma_start3A_10 : memref<200x128xf32, #tpu.memory_space<hbm>>) target_semaphore(%run_scoped3A : memref<!tpu.dma_semaphore, #tpu.memory_space<semaphore_mem>>)
      %dma_wait3A_11 = arith.constant 0 : i32
      %dma_wait3A_12 = tpu.memref_slice %arg4[%mul3A_2, %dma_wait3A_11] : memref<6400x128xf32, #tpu.memory_space<hbm>> -> memref<200x128xf32, #tpu.memory_space<hbm>>
      %dma_wait3A_13 = arith.constant 0 : i32
      %dma_wait3A_14 = tpu.memref_slice %arg4[%mul3A_2, %dma_wait3A_13] : memref<6400x128xf32, #tpu.memory_space<hbm>> -> memref<200x128xf32, #tpu.memory_space<hbm>>
      tpu.wait_dma2 semaphore(%run_scoped3A : memref<!tpu.dma_semaphore, #tpu.memory_space<semaphore_mem>>) src(%arg6 : memref<200x128xf32, #tpu.memory_space<vmem>>) dst(%dma_wait3A_14 : memref<200x128xf32, #tpu.memory_space<hbm>>)
      tpu.yield
    }) : () -> ()
    return
  }
}

module attributes {stable_mosaic.version = 14 : i64} {
  func.func @_vq_body(%arg0: i32, %arg1: memref<128x128xf32, #tpu.memory_space<vmem>>, %arg2: memref<512x128xf32, #tpu.memory_space<vmem>>, %arg3: memref<1x1x128xi32, #tpu.memory_space<vmem>>, %arg4: memref<128x512xf32, #tpu.memory_space<vmem>>, %arg5: memref<128x128xf32, #tpu.memory_space<vmem>>) attributes {dimension_semantics = [#tpu.dimension_semantics<arbitrary>], iteration_bounds = array<i64: 49>, scalar_prefetch = 0 : i64, scratch_operands = 0 : i64, tpu.core_type = #tpu.core_type<tc>, window_params = [{transform_indices = @transform_0, window_bounds = array<i64: 128, 128>}, {pipeline_mode = #tpu.pipeline_mode<synchronous>, transform_indices = @transform_1, window_bounds = array<i64: 512, 128>}, {transform_indices = @transform_2, window_bounds = array<i64: 1, 1, 128>}, {transform_indices = @transform_3, window_bounds = array<i64: 128, 512>}, {transform_indices = @transform_4, window_bounds = array<i64: 128, 128>}]} {
    %get3A = arith.constant 0 : index
    %get3A_0 = arith.constant 0 : index
    %get3A_1 = vector.load %arg1[%get3A, %get3A_0] : memref<128x128xf32, #tpu.memory_space<vmem>>, vector<128x128xf32>
    %get3A_2 = arith.constant 0 : index
    %get3A_3 = arith.constant 0 : index
    %get3A_4 = vector.load %arg2[%get3A_2, %get3A_3] : memref<512x128xf32, #tpu.memory_space<vmem>>, vector<512x128xf32>
    %integer_pow3A = arith.mulf %get3A_1, %get3A_1 : vector<128x128xf32>
    %reduce_sum3A = arith.constant dense<0.000000e+00> : vector<128xf32>
    %reduce_sum3A_5 = vector.multi_reduction <add>, %integer_pow3A, %reduce_sum3A [1] : vector<128x128xf32> to vector<128xf32>
    %broadcast_in_dim3A = vector.shape_cast %reduce_sum3A_5 : vector<128xf32> to vector<128x1xf32>
    %integer_pow3A_6 = arith.mulf %get3A_4, %get3A_4 : vector<512x128xf32>
    %reduce_sum3A_7 = arith.constant dense<0.000000e+00> : vector<512xf32>
    %reduce_sum3A_8 = vector.multi_reduction <add>, %integer_pow3A_6, %reduce_sum3A_7 [1] : vector<512x128xf32> to vector<512xf32>
    %dot_general3A = arith.constant dense<0.000000e+00> : vector<128x512xf32>
    %dot_general3A_9 = tpu.matmul %get3A_1, %get3A_4, %dot_general3A {dimension_numbers = #tpu.dot_dimension_numbers<[1], [1], [0], [0], [0, 0, 1, 0], [], []>, transpose_lhs_hint = false} : vector<128x128xf32>, vector<512x128xf32>, vector<128x512xf32> -> vector<128x512xf32>
    %mul3A = arith.constant 2.000000e+00 : f32
    %mul3A_10 = vector.broadcast %mul3A : f32 to vector<128x512xf32>
    %mul3A_11 = arith.mulf %mul3A_10, %dot_general3A_9 : vector<128x512xf32>
    %sub3A = vector.broadcast %broadcast_in_dim3A : vector<128x1xf32> to vector<128x512xf32>
    %sub3A_12 = arith.subf %sub3A, %mul3A_11 : vector<128x512xf32>
    %broadcast_in_dim3A_13 = vector.shape_cast %reduce_sum3A_8 : vector<512xf32> to vector<1x512xf32>
    %add3A = vector.broadcast %broadcast_in_dim3A_13 : vector<1x512xf32> to vector<128x512xf32>
    %add3A_14 = arith.addf %sub3A_12, %add3A : vector<128x512xf32>
    %reduce_min3A = arith.constant dense<0x7F800000> : vector<128xf32>
    %reduce_min3A_15 = vector.multi_reduction <minimumf>, %add3A_14, %reduce_min3A [1] : vector<128x512xf32> to vector<128xf32>
    %broadcast_in_dim3A_16 = vector.shape_cast %reduce_min3A_15 : vector<128xf32> to vector<128x1xf32>
    %iota3A = tpu.iota {dimensions = array<i32: 1>} : vector<128x512xi32>
    %eq3A = vector.broadcast %broadcast_in_dim3A_16 : vector<128x1xf32> to vector<128x512xf32>
    %eq3A_17 = arith.cmpf oeq, %add3A_14, %eq3A : vector<128x512xf32>
    %jit3A = arith.constant 512 : i32
    %broadcast_in_dim3A_18 = vector.broadcast %jit3A : i32 to vector<128x512xi32>
    %select_n3A = arith.select %eq3A_17, %iota3A, %broadcast_in_dim3A_18 : vector<128x512xi1>, vector<128x512xi32>
    %reduce_min3A_19 = arith.constant dense<2147483647> : vector<128xi32>
    %reduce_min3A_20 = vector.multi_reduction <minsi>, %select_n3A, %reduce_min3A_19 [1] : vector<128x512xi32> to vector<128xi32>
    %broadcast_in_dim3A_21 = vector.shape_cast %reduce_min3A_20 : vector<128xi32> to vector<128x1xi32>
    %eq3A_22 = vector.broadcast %broadcast_in_dim3A_21 : vector<128x1xi32> to vector<128x512xi32>
    %eq3A_23 = arith.cmpi eq, %iota3A, %eq3A_22 : vector<128x512xi32>
    %convert_element_type3A = arith.extui %eq3A_23 : vector<128x512xi1> to vector<128x512xi32>
    %convert_element_type3A_24 = arith.sitofp %convert_element_type3A : vector<128x512xi32> to vector<128x512xf32>
    %swap3A = arith.constant 0 : index
    %swap3A_25 = arith.constant 0 : index
    %swap3A_26 = vector.load %arg4[%swap3A, %swap3A_25] : memref<128x512xf32, #tpu.memory_space<vmem>>, vector<128x512xf32>
    tpu.vector_store %arg4[%swap3A, %swap3A_25], %convert_element_type3A_24 {strides = array<i32>} : memref<128x512xf32, #tpu.memory_space<vmem>>, vector<128x512xf32>,
    %reshape3A = vector.shape_cast %reduce_min3A_20 : vector<128xi32> to vector<1x1x128xi32>
    %swap3A_27 = arith.constant 0 : index
    %swap3A_28 = arith.constant 0 : index
    %swap3A_29 = arith.constant 0 : index
    %swap3A_30 = vector.load %arg3[%swap3A_27, %swap3A_28, %swap3A_29] : memref<1x1x128xi32, #tpu.memory_space<vmem>>, vector<1x1x128xi32>
    tpu.vector_store %arg3[%swap3A_27, %swap3A_28, %swap3A_29], %reshape3A {strides = array<i32>} : memref<1x1x128xi32, #tpu.memory_space<vmem>>, vector<1x1x128xi32>,
    %dot_general3A_31 = arith.constant dense<0.000000e+00> : vector<128x128xf32>
    %dot_general3A_32 = tpu.matmul %convert_element_type3A_24, %get3A_4, %dot_general3A_31 {dimension_numbers = #tpu.dot_dimension_numbers<[1], [0], [0], [1], [0, 0, 1, 1], [], []>, transpose_lhs_hint = false} : vector<128x512xf32>, vector<512x128xf32>, vector<128x128xf32> -> vector<128x128xf32>
    %swap3A_33 = arith.constant 0 : index
    %swap3A_34 = arith.constant 0 : index
    %swap3A_35 = vector.load %arg5[%swap3A_33, %swap3A_34] : memref<128x128xf32, #tpu.memory_space<vmem>>, vector<128x128xf32>
    tpu.vector_store %arg5[%swap3A_33, %swap3A_34], %dot_general3A_32 {strides = array<i32>} : memref<128x128xf32, #tpu.memory_space<vmem>>, vector<128x128xf32>,
    return
  }
  func.func @transform_0(%arg0: i32) -> (i32, i32) {
    %c0_i32 = arith.constant 0 : i32
    %c0_i32_0 = arith.constant 0 : i32
    return %arg0, %c0_i32 : i32, i32
  }
  func.func @transform_1(%arg0: i32) -> (i32, i32) {
    %c0_i32 = arith.constant 0 : i32
    %c0_i32_0 = arith.constant 0 : i32
    %c0_i32_1 = arith.constant 0 : i32
    return %c0_i32, %c0_i32_0 : i32, i32
  }
  func.func @transform_2(%arg0: i32) -> (i32, i32, i32) {
    %c0_i32 = arith.constant 0 : i32
    %c0_i32_0 = arith.constant 0 : i32
    %c0_i32_1 = arith.constant 0 : i32
    return %arg0, %c0_i32, %c0_i32_0 : i32, i32, i32
  }
  func.func @transform_3(%arg0: i32) -> (i32, i32) {
    %c0_i32 = arith.constant 0 : i32
    %c0_i32_0 = arith.constant 0 : i32
    return %arg0, %c0_i32 : i32, i32
  }
  func.func @transform_4(%arg0: i32) -> (i32, i32) {
    %c0_i32 = arith.constant 0 : i32
    %c0_i32_0 = arith.constant 0 : i32
    return %arg0, %c0_i32 : i32, i32
  }
}

module attributes {stable_mosaic.version = 14 : i64} {
  func.func @_dec_stage_body(%arg0: i32, %arg1: i32, %arg2: memref<1x1x30x28x128xf32, #tpu.memory_space<vmem>>, %arg3: memref<1x128xf32, #tpu.memory_space<vmem>>, %arg4: memref<1x128xf32, #tpu.memory_space<vmem>>, %arg5: memref<2x3x384x512xbf16, #tpu.memory_space<vmem>>, %arg6: memref<1x512xf32, #tpu.memory_space<vmem>>, %arg7: memref<1x1x28x28x256xf32, #tpu.memory_space<vmem>>, %arg8: memref<1x1x28x28x256xf32, #tpu.memory_space<vmem>>, %arg9: memref<1x1x2x512xf32, #tpu.memory_space<vmem>>) attributes {dimension_semantics = [#tpu.dimension_semantics<arbitrary>, #tpu.dimension_semantics<arbitrary>], iteration_bounds = array<i64: 8, 1>, scalar_prefetch = 0 : i64, scratch_operands = 0 : i64, tpu.core_type = #tpu.core_type<tc>, window_params = [{transform_indices = @transform_0, window_bounds = array<i64: 1, 1, 30, 28, 128>}, {pipeline_mode = #tpu.pipeline_mode<synchronous>, transform_indices = @transform_1, window_bounds = array<i64: 1, 128>}, {pipeline_mode = #tpu.pipeline_mode<synchronous>, transform_indices = @transform_2, window_bounds = array<i64: 1, 128>}, {pipeline_mode = #tpu.pipeline_mode<synchronous>, transform_indices = @transform_3, window_bounds = array<i64: 2, 3, 384, 512>}, {pipeline_mode = #tpu.pipeline_mode<synchronous>, transform_indices = @transform_4, window_bounds = array<i64: 1, 512>}, {transform_indices = @transform_5, window_bounds = array<i64: 1, 1, 28, 28, 256>}, {transform_indices = @transform_6, window_bounds = array<i64: 1, 1, 28, 28, 256>}, {transform_indices = @transform_7, window_bounds = array<i64: 1, 1, 2, 512>}]} {
    %get3A = arith.constant 0 : index
    %get3A_0 = arith.constant 0 : index
    %get3A_1 = arith.constant 0 : index
    %get3A_2 = arith.constant 0 : index
    %get3A_3 = arith.constant 0 : index
    %get3A_4 = vector.load %arg2[%get3A, %get3A_0, %get3A_1, %get3A_2, %get3A_3] : memref<1x1x30x28x128xf32, #tpu.memory_space<vmem>>, vector<1x1x30x28x128xf32>
    %get3A_5 = vector.shape_cast %get3A_4 : vector<1x1x30x28x128xf32> to vector<30x28x128xf32>
    %broadcast_in_dim3A = arith.constant 0.000000e+00 : f32
    %broadcast_in_dim3A_6 = vector.broadcast %broadcast_in_dim3A : f32 to vector<30x1x128xf32>
    %concatenate3A = tpu.concatenate %broadcast_in_dim3A_6, %get3A_5, %broadcast_in_dim3A_6 in 1 : vector<30x1x128xf32>, vector<30x28x128xf32>, vector<30x1x128xf32> -> vector<30x30x128xf32>
    %slice3A = vector.extract_strided_slice %concatenate3A {offsets = [0, 1, 0], sizes = [30, 28, 128], strides = [1, 1, 1]} : vector<30x30x128xf32> to vector<30x28x128xf32>
    %slice3A_7 = vector.extract_strided_slice %concatenate3A {offsets = [0, 2, 0], sizes = [30, 28, 128], strides = [1, 1, 1]} : vector<30x30x128xf32> to vector<30x28x128xf32>
    %slice3A_8 = vector.extract_strided_slice %concatenate3A {offsets = [0, 0, 0], sizes = [30, 28, 128], strides = [1, 1, 1]} : vector<30x30x128xf32> to vector<30x28x128xf32>
    %concatenate3A_9 = tpu.concatenate %slice3A, %slice3A_7, %slice3A_8 in 2 : vector<30x28x128xf32>, vector<30x28x128xf32>, vector<30x28x128xf32> -> vector<30x28x384xf32>
    %get3A_10 = arith.constant 0 : index
    %get3A_11 = arith.constant 0 : index
    %get3A_12 = arith.constant 0 : index
    %get3A_13 = arith.constant 0 : index
    %get3A_14 = vector.load %arg5[%get3A_10, %get3A_11, %get3A_12, %get3A_13] : memref<2x3x384x512xbf16, #tpu.memory_space<vmem>>, vector<1x3x384x512xbf16>
    %get3A_15 = vector.shape_cast %get3A_14 : vector<1x3x384x512xbf16> to vector<3x384x512xbf16>
    %get3A_16 = arith.constant 1 : index
    %get3A_17 = arith.constant 0 : index
    %get3A_18 = arith.constant 0 : index
    %get3A_19 = arith.constant 0 : index
    %get3A_20 = vector.load %arg5[%get3A_16, %get3A_17, %get3A_18, %get3A_19] : memref<2x3x384x512xbf16, #tpu.memory_space<vmem>>, vector<1x3x384x512xbf16>
    %get3A_21 = vector.shape_cast %get3A_20 : vector<1x3x384x512xbf16> to vector<3x384x512xbf16>
    %slice3A_22 = vector.extract_strided_slice %concatenate3A_9 {offsets = [0, 0, 0], sizes = [28, 28, 384], strides = [1, 1, 1]} : vector<30x28x384xf32> to vector<28x28x384xf32>
    %slice3A_23 = vector.extract_strided_slice %get3A_15 {offsets = [0, 0, 0], sizes = [1, 384, 512], strides = [1, 1, 1]} : vector<3x384x512xbf16> to vector<1x384x512xbf16>
    %squeeze3A = vector.shape_cast %slice3A_23 : vector<1x384x512xbf16> to vector<384x512xbf16>
    %slice3A_24 = vector.extract_strided_slice %get3A_21 {offsets = [0, 0, 0], sizes = [1, 384, 512], strides = [1, 1, 1]} : vector<3x384x512xbf16> to vector<1x384x512xbf16>
    %squeeze3A_25 = vector.shape_cast %slice3A_24 : vector<1x384x512xbf16> to vector<384x512xbf16>
    %reshape3A = vector.shape_cast %slice3A_22 : vector<28x28x384xf32> to vector<784x384xf32>
    %convert_element_type3A = arith.truncf %reshape3A : vector<784x384xf32> to vector<784x384xbf16>
    %convert_element_type3A_26 = arith.extf %convert_element_type3A : vector<784x384xbf16> to vector<784x384xf32>
    %sub3A = arith.subf %reshape3A, %convert_element_type3A_26 : vector<784x384xf32>
    %convert_element_type3A_27 = arith.truncf %sub3A : vector<784x384xf32> to vector<784x384xbf16>
    %dot_general3A = arith.constant dense<0.000000e+00> : vector<784x512xf32>
    %dot_general3A_28 = tpu.matmul %convert_element_type3A, %squeeze3A, %dot_general3A {dimension_numbers = #tpu.dot_dimension_numbers<[1], [0], [0], [1], [0, 0, 1, 1], [], []>, transpose_lhs_hint = false} : vector<784x384xbf16>, vector<384x512xbf16>, vector<784x512xf32> -> vector<784x512xf32>
    %dot_general3A_29 = arith.constant dense<0.000000e+00> : vector<784x512xf32>
    %dot_general3A_30 = tpu.matmul %convert_element_type3A, %squeeze3A_25, %dot_general3A_29 {dimension_numbers = #tpu.dot_dimension_numbers<[1], [0], [0], [1], [0, 0, 1, 1], [], []>, transpose_lhs_hint = false} : vector<784x384xbf16>, vector<384x512xbf16>, vector<784x512xf32> -> vector<784x512xf32>
    %dot_general3A_31 = arith.constant dense<0.000000e+00> : vector<784x512xf32>
    %dot_general3A_32 = tpu.matmul %convert_element_type3A_27, %squeeze3A, %dot_general3A_31 {dimension_numbers = #tpu.dot_dimension_numbers<[1], [0], [0], [1], [0, 0, 1, 1], [], []>, transpose_lhs_hint = false} : vector<784x384xbf16>, vector<384x512xbf16>, vector<784x512xf32> -> vector<784x512xf32>
    %add3A = arith.addf %dot_general3A_30, %dot_general3A_32 : vector<784x512xf32>
    %add3A_33 = arith.addf %dot_general3A_28, %add3A : vector<784x512xf32>
    %slice3A_34 = vector.extract_strided_slice %concatenate3A_9 {offsets = [1, 0, 0], sizes = [28, 28, 384], strides = [1, 1, 1]} : vector<30x28x384xf32> to vector<28x28x384xf32>
    %slice3A_35 = vector.extract_strided_slice %get3A_15 {offsets = [1, 0, 0], sizes = [1, 384, 512], strides = [1, 1, 1]} : vector<3x384x512xbf16> to vector<1x384x512xbf16>
    %squeeze3A_36 = vector.shape_cast %slice3A_35 : vector<1x384x512xbf16> to vector<384x512xbf16>
    %slice3A_37 = vector.extract_strided_slice %get3A_21 {offsets = [1, 0, 0], sizes = [1, 384, 512], strides = [1, 1, 1]} : vector<3x384x512xbf16> to vector<1x384x512xbf16>
    %squeeze3A_38 = vector.shape_cast %slice3A_37 : vector<1x384x512xbf16> to vector<384x512xbf16>
    %reshape3A_39 = vector.shape_cast %slice3A_34 : vector<28x28x384xf32> to vector<784x384xf32>
    %convert_element_type3A_40 = arith.truncf %reshape3A_39 : vector<784x384xf32> to vector<784x384xbf16>
    %convert_element_type3A_41 = arith.extf %convert_element_type3A_40 : vector<784x384xbf16> to vector<784x384xf32>
    %sub3A_42 = arith.subf %reshape3A_39, %convert_element_type3A_41 : vector<784x384xf32>
    %convert_element_type3A_43 = arith.truncf %sub3A_42 : vector<784x384xf32> to vector<784x384xbf16>
    %dot_general3A_44 = arith.constant dense<0.000000e+00> : vector<784x512xf32>
    %dot_general3A_45 = tpu.matmul %convert_element_type3A_40, %squeeze3A_36, %dot_general3A_44 {dimension_numbers = #tpu.dot_dimension_numbers<[1], [0], [0], [1], [0, 0, 1, 1], [], []>, transpose_lhs_hint = false} : vector<784x384xbf16>, vector<384x512xbf16>, vector<784x512xf32> -> vector<784x512xf32>
    %dot_general3A_46 = arith.constant dense<0.000000e+00> : vector<784x512xf32>
    %dot_general3A_47 = tpu.matmul %convert_element_type3A_40, %squeeze3A_38, %dot_general3A_46 {dimension_numbers = #tpu.dot_dimension_numbers<[1], [0], [0], [1], [0, 0, 1, 1], [], []>, transpose_lhs_hint = false} : vector<784x384xbf16>, vector<384x512xbf16>, vector<784x512xf32> -> vector<784x512xf32>
    %dot_general3A_48 = arith.constant dense<0.000000e+00> : vector<784x512xf32>
    %dot_general3A_49 = tpu.matmul %convert_element_type3A_43, %squeeze3A_36, %dot_general3A_48 {dimension_numbers = #tpu.dot_dimension_numbers<[1], [0], [0], [1], [0, 0, 1, 1], [], []>, transpose_lhs_hint = false} : vector<784x384xbf16>, vector<384x512xbf16>, vector<784x512xf32> -> vector<784x512xf32>
    %add3A_50 = arith.addf %dot_general3A_47, %dot_general3A_49 : vector<784x512xf32>
    %add3A_51 = arith.addf %dot_general3A_45, %add3A_50 : vector<784x512xf32>
    %add3A_52 = arith.addf %add3A_33, %add3A_51 : vector<784x512xf32>
    %slice3A_53 = vector.extract_strided_slice %concatenate3A_9 {offsets = [2, 0, 0], sizes = [28, 28, 384], strides = [1, 1, 1]} : vector<30x28x384xf32> to vector<28x28x384xf32>
    %slice3A_54 = vector.extract_strided_slice %get3A_15 {offsets = [2, 0, 0], sizes = [1, 384, 512], strides = [1, 1, 1]} : vector<3x384x512xbf16> to vector<1x384x512xbf16>
    %squeeze3A_55 = vector.shape_cast %slice3A_54 : vector<1x384x512xbf16> to vector<384x512xbf16>
    %slice3A_56 = vector.extract_strided_slice %get3A_21 {offsets = [2, 0, 0], sizes = [1, 384, 512], strides = [1, 1, 1]} : vector<3x384x512xbf16> to vector<1x384x512xbf16>
    %squeeze3A_57 = vector.shape_cast %slice3A_56 : vector<1x384x512xbf16> to vector<384x512xbf16>
    %reshape3A_58 = vector.shape_cast %slice3A_53 : vector<28x28x384xf32> to vector<784x384xf32>
    %convert_element_type3A_59 = arith.truncf %reshape3A_58 : vector<784x384xf32> to vector<784x384xbf16>
    %convert_element_type3A_60 = arith.extf %convert_element_type3A_59 : vector<784x384xbf16> to vector<784x384xf32>
    %sub3A_61 = arith.subf %reshape3A_58, %convert_element_type3A_60 : vector<784x384xf32>
    %convert_element_type3A_62 = arith.truncf %sub3A_61 : vector<784x384xf32> to vector<784x384xbf16>
    %dot_general3A_63 = arith.constant dense<0.000000e+00> : vector<784x512xf32>
    %dot_general3A_64 = tpu.matmul %convert_element_type3A_59, %squeeze3A_55, %dot_general3A_63 {dimension_numbers = #tpu.dot_dimension_numbers<[1], [0], [0], [1], [0, 0, 1, 1], [], []>, transpose_lhs_hint = false} : vector<784x384xbf16>, vector<384x512xbf16>, vector<784x512xf32> -> vector<784x512xf32>
    %dot_general3A_65 = arith.constant dense<0.000000e+00> : vector<784x512xf32>
    %dot_general3A_66 = tpu.matmul %convert_element_type3A_59, %squeeze3A_57, %dot_general3A_65 {dimension_numbers = #tpu.dot_dimension_numbers<[1], [0], [0], [1], [0, 0, 1, 1], [], []>, transpose_lhs_hint = false} : vector<784x384xbf16>, vector<384x512xbf16>, vector<784x512xf32> -> vector<784x512xf32>
    %dot_general3A_67 = arith.constant dense<0.000000e+00> : vector<784x512xf32>
    %dot_general3A_68 = tpu.matmul %convert_element_type3A_62, %squeeze3A_55, %dot_general3A_67 {dimension_numbers = #tpu.dot_dimension_numbers<[1], [0], [0], [1], [0, 0, 1, 1], [], []>, transpose_lhs_hint = false} : vector<784x384xbf16>, vector<384x512xbf16>, vector<784x512xf32> -> vector<784x512xf32>
    %add3A_69 = arith.addf %dot_general3A_66, %dot_general3A_68 : vector<784x512xf32>
    %add3A_70 = arith.addf %dot_general3A_64, %add3A_69 : vector<784x512xf32>
    %add3A_71 = arith.addf %add3A_52, %add3A_70 : vector<784x512xf32>
    %get3A_72 = arith.constant 0 : index
    %get3A_73 = arith.constant 0 : index
    %get3A_74 = vector.load %arg6[%get3A_72, %get3A_73] : memref<1x512xf32, #tpu.memory_space<vmem>>, vector<1x512xf32>
    %get3A_75 = vector.shape_cast %get3A_74 : vector<1x512xf32> to vector<512xf32>
    %broadcast_in_dim3A_76 = vector.shape_cast %get3A_75 : vector<512xf32> to vector<1x512xf32>
    %add3A_77 = vector.broadcast %broadcast_in_dim3A_76 : vector<1x512xf32> to vector<784x512xf32>
    %add3A_78 = arith.addf %add3A_71, %add3A_77 : vector<784x512xf32>
    %slice3A_79 = vector.extract_strided_slice %add3A_78 {offsets = [0, 0], sizes = [784, 256], strides = [1, 1]} : vector<784x512xf32> to vector<784x256xf32>
    %reshape3A_80 = vector.shape_cast %slice3A_79 : vector<784x256xf32> to vector<28x28x256xf32>
    %swap3A = arith.constant 0 : index
    %swap3A_81 = arith.constant 0 : index
    %swap3A_82 = arith.constant 0 : index
    %swap3A_83 = arith.constant 0 : index
    %swap3A_84 = arith.constant 0 : index
    %swap3A_85 = vector.load %arg7[%swap3A, %swap3A_81, %swap3A_82, %swap3A_83, %swap3A_84] : memref<1x1x28x28x256xf32, #tpu.memory_space<vmem>>, vector<1x1x28x28x256xf32>
    %swap3A_86 = vector.shape_cast %swap3A_85 : vector<1x1x28x28x256xf32> to vector<28x28x256xf32>
    %swap3A_87 = vector.shape_cast %reshape3A_80 : vector<28x28x256xf32> to vector<1x1x28x28x256xf32>
    tpu.vector_store %arg7[%swap3A, %swap3A_81, %swap3A_82, %swap3A_83, %swap3A_84], %swap3A_87 {strides = array<i32>} : memref<1x1x28x28x256xf32, #tpu.memory_space<vmem>>, vector<1x1x28x28x256xf32>,
    %slice3A_88 = vector.extract_strided_slice %add3A_78 {offsets = [0, 256], sizes = [784, 256], strides = [1, 1]} : vector<784x512xf32> to vector<784x256xf32>
    %reshape3A_89 = vector.shape_cast %slice3A_88 : vector<784x256xf32> to vector<28x28x256xf32>
    %swap3A_90 = arith.constant 0 : index
    %swap3A_91 = arith.constant 0 : index
    %swap3A_92 = arith.constant 0 : index
    %swap3A_93 = arith.constant 0 : index
    %swap3A_94 = arith.constant 0 : index
    %swap3A_95 = vector.load %arg8[%swap3A_90, %swap3A_91, %swap3A_92, %swap3A_93, %swap3A_94] : memref<1x1x28x28x256xf32, #tpu.memory_space<vmem>>, vector<1x1x28x28x256xf32>
    %swap3A_96 = vector.shape_cast %swap3A_95 : vector<1x1x28x28x256xf32> to vector<28x28x256xf32>
    %swap3A_97 = vector.shape_cast %reshape3A_89 : vector<28x28x256xf32> to vector<1x1x28x28x256xf32>
    tpu.vector_store %arg8[%swap3A_90, %swap3A_91, %swap3A_92, %swap3A_93, %swap3A_94], %swap3A_97 {strides = array<i32>} : memref<1x1x28x28x256xf32, #tpu.memory_space<vmem>>, vector<1x1x28x28x256xf32>,
    %reduce_sum3A = arith.constant dense<0.000000e+00> : vector<512xf32>
    %reduce_sum3A_98 = vector.multi_reduction <add>, %add3A_78, %reduce_sum3A [0] : vector<784x512xf32> to vector<512xf32>
    %swap3A_99 = arith.constant 0 : index
    %swap3A_100 = arith.constant 0 : index
    %swap3A_101 = arith.constant 0 : index
    %swap3A_102 = arith.constant 0 : index
    %swap3A_103 = vector.load %arg9[%swap3A_99, %swap3A_100, %swap3A_101, %swap3A_102] : memref<1x1x2x512xf32, #tpu.memory_space<vmem>>, vector<1x1x1x512xf32>
    %swap3A_104 = vector.shape_cast %swap3A_103 : vector<1x1x1x512xf32> to vector<512xf32>
    %swap3A_105 = vector.shape_cast %reduce_sum3A_98 : vector<512xf32> to vector<1x1x1x512xf32>
    tpu.vector_store %arg9[%swap3A_99, %swap3A_100, %swap3A_101, %swap3A_102], %swap3A_105 {strides = array<i32>} : memref<1x1x2x512xf32, #tpu.memory_space<vmem>>, vector<1x1x1x512xf32>,
    %mul3A = arith.mulf %add3A_78, %add3A_78 : vector<784x512xf32>
    %reduce_sum3A_106 = arith.constant dense<0.000000e+00> : vector<512xf32>
    %reduce_sum3A_107 = vector.multi_reduction <add>, %mul3A, %reduce_sum3A_106 [0] : vector<784x512xf32> to vector<512xf32>
    %swap3A_108 = arith.constant 0 : index
    %swap3A_109 = arith.constant 0 : index
    %swap3A_110 = arith.constant 1 : index
    %swap3A_111 = arith.constant 0 : index
    %swap3A_112 = vector.load %arg9[%swap3A_108, %swap3A_109, %swap3A_110, %swap3A_111] : memref<1x1x2x512xf32, #tpu.memory_space<vmem>>, vector<1x1x1x512xf32>
    %swap3A_113 = vector.shape_cast %swap3A_112 : vector<1x1x1x512xf32> to vector<512xf32>
    %swap3A_114 = vector.shape_cast %reduce_sum3A_107 : vector<512xf32> to vector<1x1x1x512xf32>
    tpu.vector_store %arg9[%swap3A_108, %swap3A_109, %swap3A_110, %swap3A_111], %swap3A_114 {strides = array<i32>} : memref<1x1x2x512xf32, #tpu.memory_space<vmem>>, vector<1x1x1x512xf32>,
    return
  }
  func.func @transform_0(%arg0: i32, %arg1: i32) -> (i32, i32, i32, i32, i32) {
    %c0_i32 = arith.constant 0 : i32
    %c0_i32_0 = arith.constant 0 : i32
    %c0_i32_1 = arith.constant 0 : i32
    %c0_i32_2 = arith.constant 0 : i32
    return %arg0, %arg1, %c0_i32, %c0_i32_0, %c0_i32_1 : i32, i32, i32, i32, i32
  }
  func.func @transform_1(%arg0: i32, %arg1: i32) -> (i32, i32) {
    %c0_i32 = arith.constant 0 : i32
    %c0_i32_0 = arith.constant 0 : i32
    %c0_i32_1 = arith.constant 0 : i32
    return %c0_i32, %c0_i32_0 : i32, i32
  }
  func.func @transform_2(%arg0: i32, %arg1: i32) -> (i32, i32) {
    %c0_i32 = arith.constant 0 : i32
    %c0_i32_0 = arith.constant 0 : i32
    %c0_i32_1 = arith.constant 0 : i32
    return %c0_i32, %c0_i32_0 : i32, i32
  }
  func.func @transform_3(%arg0: i32, %arg1: i32) -> (i32, i32, i32, i32) {
    %c0_i32 = arith.constant 0 : i32
    %c0_i32_0 = arith.constant 0 : i32
    %c0_i32_1 = arith.constant 0 : i32
    %c0_i32_2 = arith.constant 0 : i32
    %c0_i32_3 = arith.constant 0 : i32
    return %c0_i32, %c0_i32_0, %c0_i32_1, %c0_i32_2 : i32, i32, i32, i32
  }
  func.func @transform_4(%arg0: i32, %arg1: i32) -> (i32, i32) {
    %c0_i32 = arith.constant 0 : i32
    %c0_i32_0 = arith.constant 0 : i32
    %c0_i32_1 = arith.constant 0 : i32
    return %c0_i32, %c0_i32_0 : i32, i32
  }
  func.func @transform_5(%arg0: i32, %arg1: i32) -> (i32, i32, i32, i32, i32) {
    %c0_i32 = arith.constant 0 : i32
    %c0_i32_0 = arith.constant 0 : i32
    %c0_i32_1 = arith.constant 0 : i32
    %c0_i32_2 = arith.constant 0 : i32
    return %arg0, %arg1, %c0_i32, %c0_i32_0, %c0_i32_1 : i32, i32, i32, i32, i32
  }
  func.func @transform_6(%arg0: i32, %arg1: i32) -> (i32, i32, i32, i32, i32) {
    %c0_i32 = arith.constant 0 : i32
    %c0_i32_0 = arith.constant 0 : i32
    %c0_i32_1 = arith.constant 0 : i32
    %c0_i32_2 = arith.constant 0 : i32
    return %arg0, %arg1, %c0_i32, %c0_i32_0, %c0_i32_1 : i32, i32, i32, i32, i32
  }
  func.func @transform_7(%arg0: i32, %arg1: i32) -> (i32, i32, i32, i32) {
    %c0_i32 = arith.constant 0 : i32
    %c0_i32_0 = arith.constant 0 : i32
    %c0_i32_1 = arith.constant 0 : i32
    return %arg0, %arg1, %c0_i32, %c0_i32_0 : i32, i32, i32, i32
  }
}

module attributes {stable_mosaic.version = 14 : i64} {
  func.func @_dec_stage_body(%arg0: i32, %arg1: i32, %arg2: memref<1x1x58x56x128xf32, #tpu.memory_space<vmem>>, %arg3: memref<1x128xf32, #tpu.memory_space<vmem>>, %arg4: memref<1x128xf32, #tpu.memory_space<vmem>>, %arg5: memref<2x3x384x256xbf16, #tpu.memory_space<vmem>>, %arg6: memref<1x256xf32, #tpu.memory_space<vmem>>, %arg7: memref<1x1x56x56x128xf32, #tpu.memory_space<vmem>>, %arg8: memref<1x1x56x56x128xf32, #tpu.memory_space<vmem>>, %arg9: memref<1x1x2x256xf32, #tpu.memory_space<vmem>>) attributes {dimension_semantics = [#tpu.dimension_semantics<arbitrary>, #tpu.dimension_semantics<arbitrary>], iteration_bounds = array<i64: 8, 1>, scalar_prefetch = 0 : i64, scratch_operands = 0 : i64, tpu.core_type = #tpu.core_type<tc>, window_params = [{transform_indices = @transform_0, window_bounds = array<i64: 1, 1, 58, 56, 128>}, {pipeline_mode = #tpu.pipeline_mode<synchronous>, transform_indices = @transform_1, window_bounds = array<i64: 1, 128>}, {pipeline_mode = #tpu.pipeline_mode<synchronous>, transform_indices = @transform_2, window_bounds = array<i64: 1, 128>}, {pipeline_mode = #tpu.pipeline_mode<synchronous>, transform_indices = @transform_3, window_bounds = array<i64: 2, 3, 384, 256>}, {pipeline_mode = #tpu.pipeline_mode<synchronous>, transform_indices = @transform_4, window_bounds = array<i64: 1, 256>}, {transform_indices = @transform_5, window_bounds = array<i64: 1, 1, 56, 56, 128>}, {transform_indices = @transform_6, window_bounds = array<i64: 1, 1, 56, 56, 128>}, {transform_indices = @transform_7, window_bounds = array<i64: 1, 1, 2, 256>}]} {
    %get3A = arith.constant 0 : index
    %get3A_0 = arith.constant 0 : index
    %get3A_1 = arith.constant 0 : index
    %get3A_2 = arith.constant 0 : index
    %get3A_3 = arith.constant 0 : index
    %get3A_4 = vector.load %arg2[%get3A, %get3A_0, %get3A_1, %get3A_2, %get3A_3] : memref<1x1x58x56x128xf32, #tpu.memory_space<vmem>>, vector<1x1x58x56x128xf32>
    %get3A_5 = vector.shape_cast %get3A_4 : vector<1x1x58x56x128xf32> to vector<58x56x128xf32>
    %get3A_6 = arith.constant 0 : index
    %get3A_7 = arith.constant 0 : index
    %get3A_8 = vector.load %arg3[%get3A_6, %get3A_7] : memref<1x128xf32, #tpu.memory_space<vmem>>, vector<1x128xf32>
    %get3A_9 = vector.shape_cast %get3A_8 : vector<1x128xf32> to vector<128xf32>
    %broadcast_in_dim3A = vector.shape_cast %get3A_9 : vector<128xf32> to vector<1x1x128xf32>
    %mul3A = vector.broadcast %broadcast_in_dim3A : vector<1x1x128xf32> to vector<58x56x128xf32>
    %mul3A_10 = arith.mulf %get3A_5, %mul3A : vector<58x56x128xf32>
    %get3A_11 = arith.constant 0 : index
    %get3A_12 = arith.constant 0 : index
    %get3A_13 = vector.load %arg4[%get3A_11, %get3A_12] : memref<1x128xf32, #tpu.memory_space<vmem>>, vector<1x128xf32>
    %get3A_14 = vector.shape_cast %get3A_13 : vector<1x128xf32> to vector<128xf32>
    %broadcast_in_dim3A_15 = vector.shape_cast %get3A_14 : vector<128xf32> to vector<1x1x128xf32>
    %add3A = vector.broadcast %broadcast_in_dim3A_15 : vector<1x1x128xf32> to vector<58x56x128xf32>
    %add3A_16 = arith.addf %mul3A_10, %add3A : vector<58x56x128xf32>
    %max3A = arith.constant 0.000000e+00 : f32
    %max3A_17 = vector.broadcast %max3A : f32 to vector<58x56x128xf32>
    %max3A_18 = arith.maximumf %add3A_16, %max3A_17 : vector<58x56x128xf32>
    %iota3A = tpu.iota {dimensions = array<i32: 0>} : vector<58x1x1xi32>
    %ne3A = arith.constant 0 : i32
    %ne3A_19 = vector.broadcast %ne3A : i32 to vector<58x1x1xi32>
    %ne3A_20 = arith.cmpi ne, %iota3A, %ne3A_19 : vector<58x1x1xi32>
    %ne3A_21 = arith.constant 0 : i32
    %ne3A_22 = arith.cmpi ne, %arg1, %ne3A_21 : i32
    %or3A = vector.broadcast %ne3A_22 : i1 to vector<58x1x1xi1>
    %or3A_23 = arith.ori %ne3A_20, %or3A : vector<58x1x1xi1>
    %ne3A_24 = arith.constant 57 : i32
    %ne3A_25 = vector.broadcast %ne3A_24 : i32 to vector<58x1x1xi32>
    %ne3A_26 = arith.cmpi ne, %iota3A, %ne3A_25 : vector<58x1x1xi32>
    %ne3A_27 = arith.constant 0 : i32
    %ne3A_28 = arith.cmpi ne, %arg1, %ne3A_27 : i32
    %or3A_29 = vector.broadcast %ne3A_28 : i1 to vector<58x1x1xi1>
    %or3A_30 = arith.ori %ne3A_26, %or3A_29 : vector<58x1x1xi1>
    %and3A = arith.andi %or3A_23, %or3A_30 : vector<58x1x1xi1>
    %jit3A = arith.constant 0.000000e+00 : f32
    %broadcast_in_dim3A_31 = vector.shape_cast %and3A : vector<58x1x1xi1> to vector<58x1x1xi1>
    %broadcast_in_dim3A_32 = vector.broadcast %broadcast_in_dim3A_31 : vector<58x1x1xi1> to vector<58x56x128xi1>
    %broadcast_in_dim3A_33 = vector.broadcast %jit3A : f32 to vector<58x56x128xf32>
    %select_n3A = arith.select %broadcast_in_dim3A_32, %max3A_18, %broadcast_in_dim3A_33 : vector<58x56x128xi1>, vector<58x56x128xf32>
    %broadcast_in_dim3A_34 = arith.constant 0.000000e+00 : f32
    %broadcast_in_dim3A_35 = vector.broadcast %broadcast_in_dim3A_34 : f32 to vector<58x1x128xf32>
    %concatenate3A = tpu.concatenate %broadcast_in_dim3A_35, %select_n3A, %broadcast_in_dim3A_35 in 1 : vector<58x1x128xf32>, vector<58x56x128xf32>, vector<58x1x128xf32> -> vector<58x58x128xf32>
    %slice3A = vector.extract_strided_slice %concatenate3A {offsets = [0, 1, 0], sizes = [58, 56, 128], strides = [1, 1, 1]} : vector<58x58x128xf32> to vector<58x56x128xf32>
    %slice3A_36 = vector.extract_strided_slice %concatenate3A {offsets = [0, 2, 0], sizes = [58, 56, 128], strides = [1, 1, 1]} : vector<58x58x128xf32> to vector<58x56x128xf32>
    %slice3A_37 = vector.extract_strided_slice %concatenate3A {offsets = [0, 0, 0], sizes = [58, 56, 128], strides = [1, 1, 1]} : vector<58x58x128xf32> to vector<58x56x128xf32>
    %concatenate3A_38 = tpu.concatenate %slice3A, %slice3A_36, %slice3A_37 in 2 : vector<58x56x128xf32>, vector<58x56x128xf32>, vector<58x56x128xf32> -> vector<58x56x384xf32>
    %get3A_39 = arith.constant 0 : index
    %get3A_40 = arith.constant 0 : index
    %get3A_41 = arith.constant 0 : index
    %get3A_42 = arith.constant 0 : index
    %get3A_43 = vector.load %arg5[%get3A_39, %get3A_40, %get3A_41, %get3A_42] : memref<2x3x384x256xbf16, #tpu.memory_space<vmem>>, vector<1x3x384x256xbf16>
    %get3A_44 = vector.shape_cast %get3A_43 : vector<1x3x384x256xbf16> to vector<3x384x256xbf16>
    %get3A_45 = arith.constant 1 : index
    %get3A_46 = arith.constant 0 : index
    %get3A_47 = arith.constant 0 : index
    %get3A_48 = arith.constant 0 : index
    %get3A_49 = vector.load %arg5[%get3A_45, %get3A_46, %get3A_47, %get3A_48] : memref<2x3x384x256xbf16, #tpu.memory_space<vmem>>, vector<1x3x384x256xbf16>
    %get3A_50 = vector.shape_cast %get3A_49 : vector<1x3x384x256xbf16> to vector<3x384x256xbf16>
    %slice3A_51 = vector.extract_strided_slice %concatenate3A_38 {offsets = [0, 0, 0], sizes = [56, 56, 384], strides = [1, 1, 1]} : vector<58x56x384xf32> to vector<56x56x384xf32>
    %slice3A_52 = vector.extract_strided_slice %get3A_44 {offsets = [0, 0, 0], sizes = [1, 384, 256], strides = [1, 1, 1]} : vector<3x384x256xbf16> to vector<1x384x256xbf16>
    %squeeze3A = vector.shape_cast %slice3A_52 : vector<1x384x256xbf16> to vector<384x256xbf16>
    %slice3A_53 = vector.extract_strided_slice %get3A_50 {offsets = [0, 0, 0], sizes = [1, 384, 256], strides = [1, 1, 1]} : vector<3x384x256xbf16> to vector<1x384x256xbf16>
    %squeeze3A_54 = vector.shape_cast %slice3A_53 : vector<1x384x256xbf16> to vector<384x256xbf16>
    %reshape3A = vector.shape_cast %slice3A_51 : vector<56x56x384xf32> to vector<3136x384xf32>
    %convert_element_type3A = arith.truncf %reshape3A : vector<3136x384xf32> to vector<3136x384xbf16>
    %convert_element_type3A_55 = arith.extf %convert_element_type3A : vector<3136x384xbf16> to vector<3136x384xf32>
    %sub3A = arith.subf %reshape3A, %convert_element_type3A_55 : vector<3136x384xf32>
    %convert_element_type3A_56 = arith.truncf %sub3A : vector<3136x384xf32> to vector<3136x384xbf16>
    %dot_general3A = arith.constant dense<0.000000e+00> : vector<3136x256xf32>
    %dot_general3A_57 = tpu.matmul %convert_element_type3A, %squeeze3A, %dot_general3A {dimension_numbers = #tpu.dot_dimension_numbers<[1], [0], [0], [1], [0, 0, 1, 1], [], []>, transpose_lhs_hint = false} : vector<3136x384xbf16>, vector<384x256xbf16>, vector<3136x256xf32> -> vector<3136x256xf32>
    %dot_general3A_58 = arith.constant dense<0.000000e+00> : vector<3136x256xf32>
    %dot_general3A_59 = tpu.matmul %convert_element_type3A, %squeeze3A_54, %dot_general3A_58 {dimension_numbers = #tpu.dot_dimension_numbers<[1], [0], [0], [1], [0, 0, 1, 1], [], []>, transpose_lhs_hint = false} : vector<3136x384xbf16>, vector<384x256xbf16>, vector<3136x256xf32> -> vector<3136x256xf32>
    %dot_general3A_60 = arith.constant dense<0.000000e+00> : vector<3136x256xf32>
    %dot_general3A_61 = tpu.matmul %convert_element_type3A_56, %squeeze3A, %dot_general3A_60 {dimension_numbers = #tpu.dot_dimension_numbers<[1], [0], [0], [1], [0, 0, 1, 1], [], []>, transpose_lhs_hint = false} : vector<3136x384xbf16>, vector<384x256xbf16>, vector<3136x256xf32> -> vector<3136x256xf32>
    %add3A_62 = arith.addf %dot_general3A_59, %dot_general3A_61 : vector<3136x256xf32>
    %add3A_63 = arith.addf %dot_general3A_57, %add3A_62 : vector<3136x256xf32>
    %slice3A_64 = vector.extract_strided_slice %concatenate3A_38 {offsets = [1, 0, 0], sizes = [56, 56, 384], strides = [1, 1, 1]} : vector<58x56x384xf32> to vector<56x56x384xf32>
    %slice3A_65 = vector.extract_strided_slice %get3A_44 {offsets = [1, 0, 0], sizes = [1, 384, 256], strides = [1, 1, 1]} : vector<3x384x256xbf16> to vector<1x384x256xbf16>
    %squeeze3A_66 = vector.shape_cast %slice3A_65 : vector<1x384x256xbf16> to vector<384x256xbf16>
    %slice3A_67 = vector.extract_strided_slice %get3A_50 {offsets = [1, 0, 0], sizes = [1, 384, 256], strides = [1, 1, 1]} : vector<3x384x256xbf16> to vector<1x384x256xbf16>
    %squeeze3A_68 = vector.shape_cast %slice3A_67 : vector<1x384x256xbf16> to vector<384x256xbf16>
    %reshape3A_69 = vector.shape_cast %slice3A_64 : vector<56x56x384xf32> to vector<3136x384xf32>
    %convert_element_type3A_70 = arith.truncf %reshape3A_69 : vector<3136x384xf32> to vector<3136x384xbf16>
    %convert_element_type3A_71 = arith.extf %convert_element_type3A_70 : vector<3136x384xbf16> to vector<3136x384xf32>
    %sub3A_72 = arith.subf %reshape3A_69, %convert_element_type3A_71 : vector<3136x384xf32>
    %convert_element_type3A_73 = arith.truncf %sub3A_72 : vector<3136x384xf32> to vector<3136x384xbf16>
    %dot_general3A_74 = arith.constant dense<0.000000e+00> : vector<3136x256xf32>
    %dot_general3A_75 = tpu.matmul %convert_element_type3A_70, %squeeze3A_66, %dot_general3A_74 {dimension_numbers = #tpu.dot_dimension_numbers<[1], [0], [0], [1], [0, 0, 1, 1], [], []>, transpose_lhs_hint = false} : vector<3136x384xbf16>, vector<384x256xbf16>, vector<3136x256xf32> -> vector<3136x256xf32>
    %dot_general3A_76 = arith.constant dense<0.000000e+00> : vector<3136x256xf32>
    %dot_general3A_77 = tpu.matmul %convert_element_type3A_70, %squeeze3A_68, %dot_general3A_76 {dimension_numbers = #tpu.dot_dimension_numbers<[1], [0], [0], [1], [0, 0, 1, 1], [], []>, transpose_lhs_hint = false} : vector<3136x384xbf16>, vector<384x256xbf16>, vector<3136x256xf32> -> vector<3136x256xf32>
    %dot_general3A_78 = arith.constant dense<0.000000e+00> : vector<3136x256xf32>
    %dot_general3A_79 = tpu.matmul %convert_element_type3A_73, %squeeze3A_66, %dot_general3A_78 {dimension_numbers = #tpu.dot_dimension_numbers<[1], [0], [0], [1], [0, 0, 1, 1], [], []>, transpose_lhs_hint = false} : vector<3136x384xbf16>, vector<384x256xbf16>, vector<3136x256xf32> -> vector<3136x256xf32>
    %add3A_80 = arith.addf %dot_general3A_77, %dot_general3A_79 : vector<3136x256xf32>
    %add3A_81 = arith.addf %dot_general3A_75, %add3A_80 : vector<3136x256xf32>
    %add3A_82 = arith.addf %add3A_63, %add3A_81 : vector<3136x256xf32>
    %slice3A_83 = vector.extract_strided_slice %concatenate3A_38 {offsets = [2, 0, 0], sizes = [56, 56, 384], strides = [1, 1, 1]} : vector<58x56x384xf32> to vector<56x56x384xf32>
    %slice3A_84 = vector.extract_strided_slice %get3A_44 {offsets = [2, 0, 0], sizes = [1, 384, 256], strides = [1, 1, 1]} : vector<3x384x256xbf16> to vector<1x384x256xbf16>
    %squeeze3A_85 = vector.shape_cast %slice3A_84 : vector<1x384x256xbf16> to vector<384x256xbf16>
    %slice3A_86 = vector.extract_strided_slice %get3A_50 {offsets = [2, 0, 0], sizes = [1, 384, 256], strides = [1, 1, 1]} : vector<3x384x256xbf16> to vector<1x384x256xbf16>
    %squeeze3A_87 = vector.shape_cast %slice3A_86 : vector<1x384x256xbf16> to vector<384x256xbf16>
    %reshape3A_88 = vector.shape_cast %slice3A_83 : vector<56x56x384xf32> to vector<3136x384xf32>
    %convert_element_type3A_89 = arith.truncf %reshape3A_88 : vector<3136x384xf32> to vector<3136x384xbf16>
    %convert_element_type3A_90 = arith.extf %convert_element_type3A_89 : vector<3136x384xbf16> to vector<3136x384xf32>
    %sub3A_91 = arith.subf %reshape3A_88, %convert_element_type3A_90 : vector<3136x384xf32>
    %convert_element_type3A_92 = arith.truncf %sub3A_91 : vector<3136x384xf32> to vector<3136x384xbf16>
    %dot_general3A_93 = arith.constant dense<0.000000e+00> : vector<3136x256xf32>
    %dot_general3A_94 = tpu.matmul %convert_element_type3A_89, %squeeze3A_85, %dot_general3A_93 {dimension_numbers = #tpu.dot_dimension_numbers<[1], [0], [0], [1], [0, 0, 1, 1], [], []>, transpose_lhs_hint = false} : vector<3136x384xbf16>, vector<384x256xbf16>, vector<3136x256xf32> -> vector<3136x256xf32>
    %dot_general3A_95 = arith.constant dense<0.000000e+00> : vector<3136x256xf32>
    %dot_general3A_96 = tpu.matmul %convert_element_type3A_89, %squeeze3A_87, %dot_general3A_95 {dimension_numbers = #tpu.dot_dimension_numbers<[1], [0], [0], [1], [0, 0, 1, 1], [], []>, transpose_lhs_hint = false} : vector<3136x384xbf16>, vector<384x256xbf16>, vector<3136x256xf32> -> vector<3136x256xf32>
    %dot_general3A_97 = arith.constant dense<0.000000e+00> : vector<3136x256xf32>
    %dot_general3A_98 = tpu.matmul %convert_element_type3A_92, %squeeze3A_85, %dot_general3A_97 {dimension_numbers = #tpu.dot_dimension_numbers<[1], [0], [0], [1], [0, 0, 1, 1], [], []>, transpose_lhs_hint = false} : vector<3136x384xbf16>, vector<384x256xbf16>, vector<3136x256xf32> -> vector<3136x256xf32>
    %add3A_99 = arith.addf %dot_general3A_96, %dot_general3A_98 : vector<3136x256xf32>
    %add3A_100 = arith.addf %dot_general3A_94, %add3A_99 : vector<3136x256xf32>
    %add3A_101 = arith.addf %add3A_82, %add3A_100 : vector<3136x256xf32>
    %get3A_102 = arith.constant 0 : index
    %get3A_103 = arith.constant 0 : index
    %get3A_104 = vector.load %arg6[%get3A_102, %get3A_103] : memref<1x256xf32, #tpu.memory_space<vmem>>, vector<1x256xf32>
    %get3A_105 = vector.shape_cast %get3A_104 : vector<1x256xf32> to vector<256xf32>
    %broadcast_in_dim3A_106 = vector.shape_cast %get3A_105 : vector<256xf32> to vector<1x256xf32>
    %add3A_107 = vector.broadcast %broadcast_in_dim3A_106 : vector<1x256xf32> to vector<3136x256xf32>
    %add3A_108 = arith.addf %add3A_101, %add3A_107 : vector<3136x256xf32>
    %slice3A_109 = vector.extract_strided_slice %add3A_108 {offsets = [0, 0], sizes = [3136, 128], strides = [1, 1]} : vector<3136x256xf32> to vector<3136x128xf32>
    %reshape3A_110 = vector.shape_cast %slice3A_109 : vector<3136x128xf32> to vector<56x56x128xf32>
    %swap3A = arith.constant 0 : index
    %swap3A_111 = arith.constant 0 : index
    %swap3A_112 = arith.constant 0 : index
    %swap3A_113 = arith.constant 0 : index
    %swap3A_114 = arith.constant 0 : index
    %swap3A_115 = vector.load %arg7[%swap3A, %swap3A_111, %swap3A_112, %swap3A_113, %swap3A_114] : memref<1x1x56x56x128xf32, #tpu.memory_space<vmem>>, vector<1x1x56x56x128xf32>
    %swap3A_116 = vector.shape_cast %swap3A_115 : vector<1x1x56x56x128xf32> to vector<56x56x128xf32>
    %swap3A_117 = vector.shape_cast %reshape3A_110 : vector<56x56x128xf32> to vector<1x1x56x56x128xf32>
    tpu.vector_store %arg7[%swap3A, %swap3A_111, %swap3A_112, %swap3A_113, %swap3A_114], %swap3A_117 {strides = array<i32>} : memref<1x1x56x56x128xf32, #tpu.memory_space<vmem>>, vector<1x1x56x56x128xf32>,
    %slice3A_118 = vector.extract_strided_slice %add3A_108 {offsets = [0, 128], sizes = [3136, 128], strides = [1, 1]} : vector<3136x256xf32> to vector<3136x128xf32>
    %reshape3A_119 = vector.shape_cast %slice3A_118 : vector<3136x128xf32> to vector<56x56x128xf32>
    %swap3A_120 = arith.constant 0 : index
    %swap3A_121 = arith.constant 0 : index
    %swap3A_122 = arith.constant 0 : index
    %swap3A_123 = arith.constant 0 : index
    %swap3A_124 = arith.constant 0 : index
    %swap3A_125 = vector.load %arg8[%swap3A_120, %swap3A_121, %swap3A_122, %swap3A_123, %swap3A_124] : memref<1x1x56x56x128xf32, #tpu.memory_space<vmem>>, vector<1x1x56x56x128xf32>
    %swap3A_126 = vector.shape_cast %swap3A_125 : vector<1x1x56x56x128xf32> to vector<56x56x128xf32>
    %swap3A_127 = vector.shape_cast %reshape3A_119 : vector<56x56x128xf32> to vector<1x1x56x56x128xf32>
    tpu.vector_store %arg8[%swap3A_120, %swap3A_121, %swap3A_122, %swap3A_123, %swap3A_124], %swap3A_127 {strides = array<i32>} : memref<1x1x56x56x128xf32, #tpu.memory_space<vmem>>, vector<1x1x56x56x128xf32>,
    %reduce_sum3A = arith.constant dense<0.000000e+00> : vector<256xf32>
    %reduce_sum3A_128 = vector.multi_reduction <add>, %add3A_108, %reduce_sum3A [0] : vector<3136x256xf32> to vector<256xf32>
    %swap3A_129 = arith.constant 0 : index
    %swap3A_130 = arith.constant 0 : index
    %swap3A_131 = arith.constant 0 : index
    %swap3A_132 = arith.constant 0 : index
    %swap3A_133 = vector.load %arg9[%swap3A_129, %swap3A_130, %swap3A_131, %swap3A_132] : memref<1x1x2x256xf32, #tpu.memory_space<vmem>>, vector<1x1x1x256xf32>
    %swap3A_134 = vector.shape_cast %swap3A_133 : vector<1x1x1x256xf32> to vector<256xf32>
    %swap3A_135 = vector.shape_cast %reduce_sum3A_128 : vector<256xf32> to vector<1x1x1x256xf32>
    tpu.vector_store %arg9[%swap3A_129, %swap3A_130, %swap3A_131, %swap3A_132], %swap3A_135 {strides = array<i32>} : memref<1x1x2x256xf32, #tpu.memory_space<vmem>>, vector<1x1x1x256xf32>,
    %mul3A_136 = arith.mulf %add3A_108, %add3A_108 : vector<3136x256xf32>
    %reduce_sum3A_137 = arith.constant dense<0.000000e+00> : vector<256xf32>
    %reduce_sum3A_138 = vector.multi_reduction <add>, %mul3A_136, %reduce_sum3A_137 [0] : vector<3136x256xf32> to vector<256xf32>
    %swap3A_139 = arith.constant 0 : index
    %swap3A_140 = arith.constant 0 : index
    %swap3A_141 = arith.constant 1 : index
    %swap3A_142 = arith.constant 0 : index
    %swap3A_143 = vector.load %arg9[%swap3A_139, %swap3A_140, %swap3A_141, %swap3A_142] : memref<1x1x2x256xf32, #tpu.memory_space<vmem>>, vector<1x1x1x256xf32>
    %swap3A_144 = vector.shape_cast %swap3A_143 : vector<1x1x1x256xf32> to vector<256xf32>
    %swap3A_145 = vector.shape_cast %reduce_sum3A_138 : vector<256xf32> to vector<1x1x1x256xf32>
    tpu.vector_store %arg9[%swap3A_139, %swap3A_140, %swap3A_141, %swap3A_142], %swap3A_145 {strides = array<i32>} : memref<1x1x2x256xf32, #tpu.memory_space<vmem>>, vector<1x1x1x256xf32>,
    return
  }
  func.func @transform_0(%arg0: i32, %arg1: i32) -> (i32, i32, i32, i32, i32) {
    %c0_i32 = arith.constant 0 : i32
    %c0_i32_0 = arith.constant 0 : i32
    %c0_i32_1 = arith.constant 0 : i32
    %c0_i32_2 = arith.constant 0 : i32
    return %arg0, %arg1, %c0_i32, %c0_i32_0, %c0_i32_1 : i32, i32, i32, i32, i32
  }
  func.func @transform_1(%arg0: i32, %arg1: i32) -> (i32, i32) {
    %c0_i32 = arith.constant 0 : i32
    %c0_i32_0 = arith.constant 0 : i32
    %c0_i32_1 = arith.constant 0 : i32
    return %c0_i32, %c0_i32_0 : i32, i32
  }
  func.func @transform_2(%arg0: i32, %arg1: i32) -> (i32, i32) {
    %c0_i32 = arith.constant 0 : i32
    %c0_i32_0 = arith.constant 0 : i32
    %c0_i32_1 = arith.constant 0 : i32
    return %c0_i32, %c0_i32_0 : i32, i32
  }
  func.func @transform_3(%arg0: i32, %arg1: i32) -> (i32, i32, i32, i32) {
    %c0_i32 = arith.constant 0 : i32
    %c0_i32_0 = arith.constant 0 : i32
    %c0_i32_1 = arith.constant 0 : i32
    %c0_i32_2 = arith.constant 0 : i32
    %c0_i32_3 = arith.constant 0 : i32
    return %c0_i32, %c0_i32_0, %c0_i32_1, %c0_i32_2 : i32, i32, i32, i32
  }
  func.func @transform_4(%arg0: i32, %arg1: i32) -> (i32, i32) {
    %c0_i32 = arith.constant 0 : i32
    %c0_i32_0 = arith.constant 0 : i32
    %c0_i32_1 = arith.constant 0 : i32
    return %c0_i32, %c0_i32_0 : i32, i32
  }
  func.func @transform_5(%arg0: i32, %arg1: i32) -> (i32, i32, i32, i32, i32) {
    %c0_i32 = arith.constant 0 : i32
    %c0_i32_0 = arith.constant 0 : i32
    %c0_i32_1 = arith.constant 0 : i32
    %c0_i32_2 = arith.constant 0 : i32
    return %arg0, %arg1, %c0_i32, %c0_i32_0, %c0_i32_1 : i32, i32, i32, i32, i32
  }
  func.func @transform_6(%arg0: i32, %arg1: i32) -> (i32, i32, i32, i32, i32) {
    %c0_i32 = arith.constant 0 : i32
    %c0_i32_0 = arith.constant 0 : i32
    %c0_i32_1 = arith.constant 0 : i32
    %c0_i32_2 = arith.constant 0 : i32
    return %arg0, %arg1, %c0_i32, %c0_i32_0, %c0_i32_1 : i32, i32, i32, i32, i32
  }
  func.func @transform_7(%arg0: i32, %arg1: i32) -> (i32, i32, i32, i32) {
    %c0_i32 = arith.constant 0 : i32
    %c0_i32_0 = arith.constant 0 : i32
    %c0_i32_1 = arith.constant 0 : i32
    return %arg0, %arg1, %c0_i32, %c0_i32_0 : i32, i32, i32, i32
  }
}

module attributes {stable_mosaic.version = 14 : i64} {
  func.func @_dec_stage_body(%arg0: i32, %arg1: i32, %arg2: memref<1x1x30x112x64xf32, #tpu.memory_space<vmem>>, %arg3: memref<1x64xf32, #tpu.memory_space<vmem>>, %arg4: memref<1x64xf32, #tpu.memory_space<vmem>>, %arg5: memref<2x3x192x128xbf16, #tpu.memory_space<vmem>>, %arg6: memref<1x128xf32, #tpu.memory_space<vmem>>, %arg7: memref<1x1x28x112x64xf32, #tpu.memory_space<vmem>>, %arg8: memref<1x1x28x112x64xf32, #tpu.memory_space<vmem>>, %arg9: memref<1x1x2x128xf32, #tpu.memory_space<vmem>>) attributes {dimension_semantics = [#tpu.dimension_semantics<arbitrary>, #tpu.dimension_semantics<arbitrary>], iteration_bounds = array<i64: 8, 4>, scalar_prefetch = 0 : i64, scratch_operands = 0 : i64, tpu.core_type = #tpu.core_type<tc>, window_params = [{transform_indices = @transform_0, window_bounds = array<i64: 1, 1, 30, 112, 64>}, {pipeline_mode = #tpu.pipeline_mode<synchronous>, transform_indices = @transform_1, window_bounds = array<i64: 1, 64>}, {pipeline_mode = #tpu.pipeline_mode<synchronous>, transform_indices = @transform_2, window_bounds = array<i64: 1, 64>}, {pipeline_mode = #tpu.pipeline_mode<synchronous>, transform_indices = @transform_3, window_bounds = array<i64: 2, 3, 192, 128>}, {pipeline_mode = #tpu.pipeline_mode<synchronous>, transform_indices = @transform_4, window_bounds = array<i64: 1, 128>}, {transform_indices = @transform_5, window_bounds = array<i64: 1, 1, 28, 112, 64>}, {transform_indices = @transform_6, window_bounds = array<i64: 1, 1, 28, 112, 64>}, {transform_indices = @transform_7, window_bounds = array<i64: 1, 1, 2, 128>}]} {
    %get3A = arith.constant 0 : index
    %get3A_0 = arith.constant 0 : index
    %get3A_1 = arith.constant 0 : index
    %get3A_2 = arith.constant 0 : index
    %get3A_3 = arith.constant 0 : index
    %get3A_4 = vector.load %arg2[%get3A, %get3A_0, %get3A_1, %get3A_2, %get3A_3] : memref<1x1x30x112x64xf32, #tpu.memory_space<vmem>>, vector<1x1x30x112x64xf32>
    %get3A_5 = vector.shape_cast %get3A_4 : vector<1x1x30x112x64xf32> to vector<30x112x64xf32>
    %get3A_6 = arith.constant 0 : index
    %get3A_7 = arith.constant 0 : index
    %get3A_8 = vector.load %arg3[%get3A_6, %get3A_7] : memref<1x64xf32, #tpu.memory_space<vmem>>, vector<1x64xf32>
    %get3A_9 = vector.shape_cast %get3A_8 : vector<1x64xf32> to vector<64xf32>
    %broadcast_in_dim3A = vector.shape_cast %get3A_9 : vector<64xf32> to vector<1x1x64xf32>
    %mul3A = vector.broadcast %broadcast_in_dim3A : vector<1x1x64xf32> to vector<30x112x64xf32>
    %mul3A_10 = arith.mulf %get3A_5, %mul3A : vector<30x112x64xf32>
    %get3A_11 = arith.constant 0 : index
    %get3A_12 = arith.constant 0 : index
    %get3A_13 = vector.load %arg4[%get3A_11, %get3A_12] : memref<1x64xf32, #tpu.memory_space<vmem>>, vector<1x64xf32>
    %get3A_14 = vector.shape_cast %get3A_13 : vector<1x64xf32> to vector<64xf32>
    %broadcast_in_dim3A_15 = vector.shape_cast %get3A_14 : vector<64xf32> to vector<1x1x64xf32>
    %add3A = vector.broadcast %broadcast_in_dim3A_15 : vector<1x1x64xf32> to vector<30x112x64xf32>
    %add3A_16 = arith.addf %mul3A_10, %add3A : vector<30x112x64xf32>
    %max3A = arith.constant 0.000000e+00 : f32
    %max3A_17 = vector.broadcast %max3A : f32 to vector<30x112x64xf32>
    %max3A_18 = arith.maximumf %add3A_16, %max3A_17 : vector<30x112x64xf32>
    %iota3A = tpu.iota {dimensions = array<i32: 0>} : vector<30x1x1xi32>
    %ne3A = arith.constant 0 : i32
    %ne3A_19 = vector.broadcast %ne3A : i32 to vector<30x1x1xi32>
    %ne3A_20 = arith.cmpi ne, %iota3A, %ne3A_19 : vector<30x1x1xi32>
    %ne3A_21 = arith.constant 0 : i32
    %ne3A_22 = arith.cmpi ne, %arg1, %ne3A_21 : i32
    %or3A = vector.broadcast %ne3A_22 : i1 to vector<30x1x1xi1>
    %or3A_23 = arith.ori %ne3A_20, %or3A : vector<30x1x1xi1>
    %ne3A_24 = arith.constant 29 : i32
    %ne3A_25 = vector.broadcast %ne3A_24 : i32 to vector<30x1x1xi32>
    %ne3A_26 = arith.cmpi ne, %iota3A, %ne3A_25 : vector<30x1x1xi32>
    %ne3A_27 = arith.constant 3 : i32
    %ne3A_28 = arith.cmpi ne, %arg1, %ne3A_27 : i32
    %or3A_29 = vector.broadcast %ne3A_28 : i1 to vector<30x1x1xi1>
    %or3A_30 = arith.ori %ne3A_26, %or3A_29 : vector<30x1x1xi1>
    %and3A = arith.andi %or3A_23, %or3A_30 : vector<30x1x1xi1>
    %jit3A = arith.constant 0.000000e+00 : f32
    %broadcast_in_dim3A_31 = vector.shape_cast %and3A : vector<30x1x1xi1> to vector<30x1x1xi1>
    %broadcast_in_dim3A_32 = vector.broadcast %broadcast_in_dim3A_31 : vector<30x1x1xi1> to vector<30x112x64xi1>
    %broadcast_in_dim3A_33 = vector.broadcast %jit3A : f32 to vector<30x112x64xf32>
    %select_n3A = arith.select %broadcast_in_dim3A_32, %max3A_18, %broadcast_in_dim3A_33 : vector<30x112x64xi1>, vector<30x112x64xf32>
    %broadcast_in_dim3A_34 = arith.constant 0.000000e+00 : f32
    %broadcast_in_dim3A_35 = vector.broadcast %broadcast_in_dim3A_34 : f32 to vector<30x1x64xf32>
    %concatenate3A = tpu.concatenate %broadcast_in_dim3A_35, %select_n3A, %broadcast_in_dim3A_35 in 1 : vector<30x1x64xf32>, vector<30x112x64xf32>, vector<30x1x64xf32> -> vector<30x114x64xf32>
    %slice3A = vector.extract_strided_slice %concatenate3A {offsets = [0, 1, 0], sizes = [30, 112, 64], strides = [1, 1, 1]} : vector<30x114x64xf32> to vector<30x112x64xf32>
    %slice3A_36 = vector.extract_strided_slice %concatenate3A {offsets = [0, 2, 0], sizes = [30, 112, 64], strides = [1, 1, 1]} : vector<30x114x64xf32> to vector<30x112x64xf32>
    %slice3A_37 = vector.extract_strided_slice %concatenate3A {offsets = [0, 0, 0], sizes = [30, 112, 64], strides = [1, 1, 1]} : vector<30x114x64xf32> to vector<30x112x64xf32>
    %concatenate3A_38 = tpu.concatenate %slice3A, %slice3A_36, %slice3A_37 in 2 : vector<30x112x64xf32>, vector<30x112x64xf32>, vector<30x112x64xf32> -> vector<30x112x192xf32>
    %get3A_39 = arith.constant 0 : index
    %get3A_40 = arith.constant 0 : index
    %get3A_41 = arith.constant 0 : index
    %get3A_42 = arith.constant 0 : index
    %get3A_43 = vector.load %arg5[%get3A_39, %get3A_40, %get3A_41, %get3A_42] : memref<2x3x192x128xbf16, #tpu.memory_space<vmem>>, vector<1x3x192x128xbf16>
    %get3A_44 = vector.shape_cast %get3A_43 : vector<1x3x192x128xbf16> to vector<3x192x128xbf16>
    %get3A_45 = arith.constant 1 : index
    %get3A_46 = arith.constant 0 : index
    %get3A_47 = arith.constant 0 : index
    %get3A_48 = arith.constant 0 : index
    %get3A_49 = vector.load %arg5[%get3A_45, %get3A_46, %get3A_47, %get3A_48] : memref<2x3x192x128xbf16, #tpu.memory_space<vmem>>, vector<1x3x192x128xbf16>
    %get3A_50 = vector.shape_cast %get3A_49 : vector<1x3x192x128xbf16> to vector<3x192x128xbf16>
    %slice3A_51 = vector.extract_strided_slice %concatenate3A_38 {offsets = [0, 0, 0], sizes = [28, 112, 192], strides = [1, 1, 1]} : vector<30x112x192xf32> to vector<28x112x192xf32>
    %slice3A_52 = vector.extract_strided_slice %get3A_44 {offsets = [0, 0, 0], sizes = [1, 192, 128], strides = [1, 1, 1]} : vector<3x192x128xbf16> to vector<1x192x128xbf16>
    %squeeze3A = vector.shape_cast %slice3A_52 : vector<1x192x128xbf16> to vector<192x128xbf16>
    %slice3A_53 = vector.extract_strided_slice %get3A_50 {offsets = [0, 0, 0], sizes = [1, 192, 128], strides = [1, 1, 1]} : vector<3x192x128xbf16> to vector<1x192x128xbf16>
    %squeeze3A_54 = vector.shape_cast %slice3A_53 : vector<1x192x128xbf16> to vector<192x128xbf16>
    %reshape3A = vector.shape_cast %slice3A_51 : vector<28x112x192xf32> to vector<3136x192xf32>
    %convert_element_type3A = arith.truncf %reshape3A : vector<3136x192xf32> to vector<3136x192xbf16>
    %convert_element_type3A_55 = arith.extf %convert_element_type3A : vector<3136x192xbf16> to vector<3136x192xf32>
    %sub3A = arith.subf %reshape3A, %convert_element_type3A_55 : vector<3136x192xf32>
    %convert_element_type3A_56 = arith.truncf %sub3A : vector<3136x192xf32> to vector<3136x192xbf16>
    %dot_general3A = arith.constant dense<0.000000e+00> : vector<3136x128xf32>
    %dot_general3A_57 = tpu.matmul %convert_element_type3A, %squeeze3A, %dot_general3A {dimension_numbers = #tpu.dot_dimension_numbers<[1], [0], [0], [1], [0, 0, 1, 1], [], []>, transpose_lhs_hint = false} : vector<3136x192xbf16>, vector<192x128xbf16>, vector<3136x128xf32> -> vector<3136x128xf32>
    %dot_general3A_58 = arith.constant dense<0.000000e+00> : vector<3136x128xf32>
    %dot_general3A_59 = tpu.matmul %convert_element_type3A, %squeeze3A_54, %dot_general3A_58 {dimension_numbers = #tpu.dot_dimension_numbers<[1], [0], [0], [1], [0, 0, 1, 1], [], []>, transpose_lhs_hint = false} : vector<3136x192xbf16>, vector<192x128xbf16>, vector<3136x128xf32> -> vector<3136x128xf32>
    %dot_general3A_60 = arith.constant dense<0.000000e+00> : vector<3136x128xf32>
    %dot_general3A_61 = tpu.matmul %convert_element_type3A_56, %squeeze3A, %dot_general3A_60 {dimension_numbers = #tpu.dot_dimension_numbers<[1], [0], [0], [1], [0, 0, 1, 1], [], []>, transpose_lhs_hint = false} : vector<3136x192xbf16>, vector<192x128xbf16>, vector<3136x128xf32> -> vector<3136x128xf32>
    %add3A_62 = arith.addf %dot_general3A_59, %dot_general3A_61 : vector<3136x128xf32>
    %add3A_63 = arith.addf %dot_general3A_57, %add3A_62 : vector<3136x128xf32>
    %slice3A_64 = vector.extract_strided_slice %concatenate3A_38 {offsets = [1, 0, 0], sizes = [28, 112, 192], strides = [1, 1, 1]} : vector<30x112x192xf32> to vector<28x112x192xf32>
    %slice3A_65 = vector.extract_strided_slice %get3A_44 {offsets = [1, 0, 0], sizes = [1, 192, 128], strides = [1, 1, 1]} : vector<3x192x128xbf16> to vector<1x192x128xbf16>
    %squeeze3A_66 = vector.shape_cast %slice3A_65 : vector<1x192x128xbf16> to vector<192x128xbf16>
    %slice3A_67 = vector.extract_strided_slice %get3A_50 {offsets = [1, 0, 0], sizes = [1, 192, 128], strides = [1, 1, 1]} : vector<3x192x128xbf16> to vector<1x192x128xbf16>
    %squeeze3A_68 = vector.shape_cast %slice3A_67 : vector<1x192x128xbf16> to vector<192x128xbf16>
    %reshape3A_69 = vector.shape_cast %slice3A_64 : vector<28x112x192xf32> to vector<3136x192xf32>
    %convert_element_type3A_70 = arith.truncf %reshape3A_69 : vector<3136x192xf32> to vector<3136x192xbf16>
    %convert_element_type3A_71 = arith.extf %convert_element_type3A_70 : vector<3136x192xbf16> to vector<3136x192xf32>
    %sub3A_72 = arith.subf %reshape3A_69, %convert_element_type3A_71 : vector<3136x192xf32>
    %convert_element_type3A_73 = arith.truncf %sub3A_72 : vector<3136x192xf32> to vector<3136x192xbf16>
    %dot_general3A_74 = arith.constant dense<0.000000e+00> : vector<3136x128xf32>
    %dot_general3A_75 = tpu.matmul %convert_element_type3A_70, %squeeze3A_66, %dot_general3A_74 {dimension_numbers = #tpu.dot_dimension_numbers<[1], [0], [0], [1], [0, 0, 1, 1], [], []>, transpose_lhs_hint = false} : vector<3136x192xbf16>, vector<192x128xbf16>, vector<3136x128xf32> -> vector<3136x128xf32>
    %dot_general3A_76 = arith.constant dense<0.000000e+00> : vector<3136x128xf32>
    %dot_general3A_77 = tpu.matmul %convert_element_type3A_70, %squeeze3A_68, %dot_general3A_76 {dimension_numbers = #tpu.dot_dimension_numbers<[1], [0], [0], [1], [0, 0, 1, 1], [], []>, transpose_lhs_hint = false} : vector<3136x192xbf16>, vector<192x128xbf16>, vector<3136x128xf32> -> vector<3136x128xf32>
    %dot_general3A_78 = arith.constant dense<0.000000e+00> : vector<3136x128xf32>
    %dot_general3A_79 = tpu.matmul %convert_element_type3A_73, %squeeze3A_66, %dot_general3A_78 {dimension_numbers = #tpu.dot_dimension_numbers<[1], [0], [0], [1], [0, 0, 1, 1], [], []>, transpose_lhs_hint = false} : vector<3136x192xbf16>, vector<192x128xbf16>, vector<3136x128xf32> -> vector<3136x128xf32>
    %add3A_80 = arith.addf %dot_general3A_77, %dot_general3A_79 : vector<3136x128xf32>
    %add3A_81 = arith.addf %dot_general3A_75, %add3A_80 : vector<3136x128xf32>
    %add3A_82 = arith.addf %add3A_63, %add3A_81 : vector<3136x128xf32>
    %slice3A_83 = vector.extract_strided_slice %concatenate3A_38 {offsets = [2, 0, 0], sizes = [28, 112, 192], strides = [1, 1, 1]} : vector<30x112x192xf32> to vector<28x112x192xf32>
    %slice3A_84 = vector.extract_strided_slice %get3A_44 {offsets = [2, 0, 0], sizes = [1, 192, 128], strides = [1, 1, 1]} : vector<3x192x128xbf16> to vector<1x192x128xbf16>
    %squeeze3A_85 = vector.shape_cast %slice3A_84 : vector<1x192x128xbf16> to vector<192x128xbf16>
    %slice3A_86 = vector.extract_strided_slice %get3A_50 {offsets = [2, 0, 0], sizes = [1, 192, 128], strides = [1, 1, 1]} : vector<3x192x128xbf16> to vector<1x192x128xbf16>
    %squeeze3A_87 = vector.shape_cast %slice3A_86 : vector<1x192x128xbf16> to vector<192x128xbf16>
    %reshape3A_88 = vector.shape_cast %slice3A_83 : vector<28x112x192xf32> to vector<3136x192xf32>
    %convert_element_type3A_89 = arith.truncf %reshape3A_88 : vector<3136x192xf32> to vector<3136x192xbf16>
    %convert_element_type3A_90 = arith.extf %convert_element_type3A_89 : vector<3136x192xbf16> to vector<3136x192xf32>
    %sub3A_91 = arith.subf %reshape3A_88, %convert_element_type3A_90 : vector<3136x192xf32>
    %convert_element_type3A_92 = arith.truncf %sub3A_91 : vector<3136x192xf32> to vector<3136x192xbf16>
    %dot_general3A_93 = arith.constant dense<0.000000e+00> : vector<3136x128xf32>
    %dot_general3A_94 = tpu.matmul %convert_element_type3A_89, %squeeze3A_85, %dot_general3A_93 {dimension_numbers = #tpu.dot_dimension_numbers<[1], [0], [0], [1], [0, 0, 1, 1], [], []>, transpose_lhs_hint = false} : vector<3136x192xbf16>, vector<192x128xbf16>, vector<3136x128xf32> -> vector<3136x128xf32>
    %dot_general3A_95 = arith.constant dense<0.000000e+00> : vector<3136x128xf32>
    %dot_general3A_96 = tpu.matmul %convert_element_type3A_89, %squeeze3A_87, %dot_general3A_95 {dimension_numbers = #tpu.dot_dimension_numbers<[1], [0], [0], [1], [0, 0, 1, 1], [], []>, transpose_lhs_hint = false} : vector<3136x192xbf16>, vector<192x128xbf16>, vector<3136x128xf32> -> vector<3136x128xf32>
    %dot_general3A_97 = arith.constant dense<0.000000e+00> : vector<3136x128xf32>
    %dot_general3A_98 = tpu.matmul %convert_element_type3A_92, %squeeze3A_85, %dot_general3A_97 {dimension_numbers = #tpu.dot_dimension_numbers<[1], [0], [0], [1], [0, 0, 1, 1], [], []>, transpose_lhs_hint = false} : vector<3136x192xbf16>, vector<192x128xbf16>, vector<3136x128xf32> -> vector<3136x128xf32>
    %add3A_99 = arith.addf %dot_general3A_96, %dot_general3A_98 : vector<3136x128xf32>
    %add3A_100 = arith.addf %dot_general3A_94, %add3A_99 : vector<3136x128xf32>
    %add3A_101 = arith.addf %add3A_82, %add3A_100 : vector<3136x128xf32>
    %get3A_102 = arith.constant 0 : index
    %get3A_103 = arith.constant 0 : index
    %get3A_104 = vector.load %arg6[%get3A_102, %get3A_103] : memref<1x128xf32, #tpu.memory_space<vmem>>, vector<1x128xf32>
    %get3A_105 = vector.shape_cast %get3A_104 : vector<1x128xf32> to vector<128xf32>
    %broadcast_in_dim3A_106 = vector.shape_cast %get3A_105 : vector<128xf32> to vector<1x128xf32>
    %add3A_107 = vector.broadcast %broadcast_in_dim3A_106 : vector<1x128xf32> to vector<3136x128xf32>
    %add3A_108 = arith.addf %add3A_101, %add3A_107 : vector<3136x128xf32>
    %slice3A_109 = vector.extract_strided_slice %add3A_108 {offsets = [0, 0], sizes = [3136, 64], strides = [1, 1]} : vector<3136x128xf32> to vector<3136x64xf32>
    %reshape3A_110 = vector.shape_cast %slice3A_109 : vector<3136x64xf32> to vector<28x112x64xf32>
    %swap3A = arith.constant 0 : index
    %swap3A_111 = arith.constant 0 : index
    %swap3A_112 = arith.constant 0 : index
    %swap3A_113 = arith.constant 0 : index
    %swap3A_114 = arith.constant 0 : index
    %swap3A_115 = vector.load %arg7[%swap3A, %swap3A_111, %swap3A_112, %swap3A_113, %swap3A_114] : memref<1x1x28x112x64xf32, #tpu.memory_space<vmem>>, vector<1x1x28x112x64xf32>
    %swap3A_116 = vector.shape_cast %swap3A_115 : vector<1x1x28x112x64xf32> to vector<28x112x64xf32>
    %swap3A_117 = vector.shape_cast %reshape3A_110 : vector<28x112x64xf32> to vector<1x1x28x112x64xf32>
    tpu.vector_store %arg7[%swap3A, %swap3A_111, %swap3A_112, %swap3A_113, %swap3A_114], %swap3A_117 {strides = array<i32>} : memref<1x1x28x112x64xf32, #tpu.memory_space<vmem>>, vector<1x1x28x112x64xf32>,
    %slice3A_118 = vector.extract_strided_slice %add3A_108 {offsets = [0, 64], sizes = [3136, 64], strides = [1, 1]} : vector<3136x128xf32> to vector<3136x64xf32>
    %reshape3A_119 = vector.shape_cast %slice3A_118 : vector<3136x64xf32> to vector<28x112x64xf32>
    %swap3A_120 = arith.constant 0 : index
    %swap3A_121 = arith.constant 0 : index
    %swap3A_122 = arith.constant 0 : index
    %swap3A_123 = arith.constant 0 : index
    %swap3A_124 = arith.constant 0 : index
    %swap3A_125 = vector.load %arg8[%swap3A_120, %swap3A_121, %swap3A_122, %swap3A_123, %swap3A_124] : memref<1x1x28x112x64xf32, #tpu.memory_space<vmem>>, vector<1x1x28x112x64xf32>
    %swap3A_126 = vector.shape_cast %swap3A_125 : vector<1x1x28x112x64xf32> to vector<28x112x64xf32>
    %swap3A_127 = vector.shape_cast %reshape3A_119 : vector<28x112x64xf32> to vector<1x1x28x112x64xf32>
    tpu.vector_store %arg8[%swap3A_120, %swap3A_121, %swap3A_122, %swap3A_123, %swap3A_124], %swap3A_127 {strides = array<i32>} : memref<1x1x28x112x64xf32, #tpu.memory_space<vmem>>, vector<1x1x28x112x64xf32>,
    %reduce_sum3A = arith.constant dense<0.000000e+00> : vector<128xf32>
    %reduce_sum3A_128 = vector.multi_reduction <add>, %add3A_108, %reduce_sum3A [0] : vector<3136x128xf32> to vector<128xf32>
    %swap3A_129 = arith.constant 0 : index
    %swap3A_130 = arith.constant 0 : index
    %swap3A_131 = arith.constant 0 : index
    %swap3A_132 = arith.constant 0 : index
    %swap3A_133 = vector.load %arg9[%swap3A_129, %swap3A_130, %swap3A_131, %swap3A_132] : memref<1x1x2x128xf32, #tpu.memory_space<vmem>>, vector<1x1x1x128xf32>
    %swap3A_134 = vector.shape_cast %swap3A_133 : vector<1x1x1x128xf32> to vector<128xf32>
    %swap3A_135 = vector.shape_cast %reduce_sum3A_128 : vector<128xf32> to vector<1x1x1x128xf32>
    tpu.vector_store %arg9[%swap3A_129, %swap3A_130, %swap3A_131, %swap3A_132], %swap3A_135 {strides = array<i32>} : memref<1x1x2x128xf32, #tpu.memory_space<vmem>>, vector<1x1x1x128xf32>,
    %mul3A_136 = arith.mulf %add3A_108, %add3A_108 : vector<3136x128xf32>
    %reduce_sum3A_137 = arith.constant dense<0.000000e+00> : vector<128xf32>
    %reduce_sum3A_138 = vector.multi_reduction <add>, %mul3A_136, %reduce_sum3A_137 [0] : vector<3136x128xf32> to vector<128xf32>
    %swap3A_139 = arith.constant 0 : index
    %swap3A_140 = arith.constant 0 : index
    %swap3A_141 = arith.constant 1 : index
    %swap3A_142 = arith.constant 0 : index
    %swap3A_143 = vector.load %arg9[%swap3A_139, %swap3A_140, %swap3A_141, %swap3A_142] : memref<1x1x2x128xf32, #tpu.memory_space<vmem>>, vector<1x1x1x128xf32>
    %swap3A_144 = vector.shape_cast %swap3A_143 : vector<1x1x1x128xf32> to vector<128xf32>
    %swap3A_145 = vector.shape_cast %reduce_sum3A_138 : vector<128xf32> to vector<1x1x1x128xf32>
    tpu.vector_store %arg9[%swap3A_139, %swap3A_140, %swap3A_141, %swap3A_142], %swap3A_145 {strides = array<i32>} : memref<1x1x2x128xf32, #tpu.memory_space<vmem>>, vector<1x1x1x128xf32>,
    return
  }
  func.func @transform_0(%arg0: i32, %arg1: i32) -> (i32, i32, i32, i32, i32) {
    %c0_i32 = arith.constant 0 : i32
    %c0_i32_0 = arith.constant 0 : i32
    %c0_i32_1 = arith.constant 0 : i32
    %c0_i32_2 = arith.constant 0 : i32
    return %arg0, %arg1, %c0_i32, %c0_i32_0, %c0_i32_1 : i32, i32, i32, i32, i32
  }
  func.func @transform_1(%arg0: i32, %arg1: i32) -> (i32, i32) {
    %c0_i32 = arith.constant 0 : i32
    %c0_i32_0 = arith.constant 0 : i32
    %c0_i32_1 = arith.constant 0 : i32
    return %c0_i32, %c0_i32_0 : i32, i32
  }
  func.func @transform_2(%arg0: i32, %arg1: i32) -> (i32, i32) {
    %c0_i32 = arith.constant 0 : i32
    %c0_i32_0 = arith.constant 0 : i32
    %c0_i32_1 = arith.constant 0 : i32
    return %c0_i32, %c0_i32_0 : i32, i32
  }
  func.func @transform_3(%arg0: i32, %arg1: i32) -> (i32, i32, i32, i32) {
    %c0_i32 = arith.constant 0 : i32
    %c0_i32_0 = arith.constant 0 : i32
    %c0_i32_1 = arith.constant 0 : i32
    %c0_i32_2 = arith.constant 0 : i32
    %c0_i32_3 = arith.constant 0 : i32
    return %c0_i32, %c0_i32_0, %c0_i32_1, %c0_i32_2 : i32, i32, i32, i32
  }
  func.func @transform_4(%arg0: i32, %arg1: i32) -> (i32, i32) {
    %c0_i32 = arith.constant 0 : i32
    %c0_i32_0 = arith.constant 0 : i32
    %c0_i32_1 = arith.constant 0 : i32
    return %c0_i32, %c0_i32_0 : i32, i32
  }
  func.func @transform_5(%arg0: i32, %arg1: i32) -> (i32, i32, i32, i32, i32) {
    %c0_i32 = arith.constant 0 : i32
    %c0_i32_0 = arith.constant 0 : i32
    %c0_i32_1 = arith.constant 0 : i32
    %c0_i32_2 = arith.constant 0 : i32
    return %arg0, %arg1, %c0_i32, %c0_i32_0, %c0_i32_1 : i32, i32, i32, i32, i32
  }
  func.func @transform_6(%arg0: i32, %arg1: i32) -> (i32, i32, i32, i32, i32) {
    %c0_i32 = arith.constant 0 : i32
    %c0_i32_0 = arith.constant 0 : i32
    %c0_i32_1 = arith.constant 0 : i32
    %c0_i32_2 = arith.constant 0 : i32
    return %arg0, %arg1, %c0_i32, %c0_i32_0, %c0_i32_1 : i32, i32, i32, i32, i32
  }
  func.func @transform_7(%arg0: i32, %arg1: i32) -> (i32, i32, i32, i32) {
    %c0_i32 = arith.constant 0 : i32
    %c0_i32_0 = arith.constant 0 : i32
    %c0_i32_1 = arith.constant 0 : i32
    return %arg0, %arg1, %c0_i32, %c0_i32_0 : i32, i32, i32, i32
  }
}

module attributes {stable_mosaic.version = 14 : i64} {
  func.func @_out_body(%arg0: i32, %arg1: i32, %arg2: memref<1x1x59x224x32xf32, #tpu.memory_space<vmem>>, %arg3: memref<1x32xf32, #tpu.memory_space<vmem>>, %arg4: memref<1x32xf32, #tpu.memory_space<vmem>>, %arg5: memref<2x160x8xbf16, #tpu.memory_space<vmem>>, %arg6: memref<1x1xf32, #tpu.memory_space<vmem>>, %arg7: memref<1x1x55x220xf32, #tpu.memory_space<vmem>>) attributes {dimension_semantics = [#tpu.dimension_semantics<arbitrary>, #tpu.dimension_semantics<arbitrary>], iteration_bounds = array<i64: 8, 4>, scalar_prefetch = 0 : i64, scratch_operands = 0 : i64, tpu.core_type = #tpu.core_type<tc>, window_params = [{transform_indices = @transform_0, window_bounds = array<i64: 1, 1, 59, 224, 32>}, {pipeline_mode = #tpu.pipeline_mode<synchronous>, transform_indices = @transform_1, window_bounds = array<i64: 1, 32>}, {pipeline_mode = #tpu.pipeline_mode<synchronous>, transform_indices = @transform_2, window_bounds = array<i64: 1, 32>}, {pipeline_mode = #tpu.pipeline_mode<synchronous>, transform_indices = @transform_3, window_bounds = array<i64: 2, 160, 8>}, {pipeline_mode = #tpu.pipeline_mode<synchronous>, transform_indices = @transform_4, window_bounds = array<i64: 1, 1>}, {transform_indices = @transform_5, window_bounds = array<i64: 1, 1, 55, 220>}]} {
    %get3A = arith.constant 0 : index
    %get3A_0 = arith.constant 0 : index
    %get3A_1 = arith.constant 0 : index
    %get3A_2 = arith.constant 0 : index
    %get3A_3 = arith.constant 0 : index
    %get3A_4 = vector.load %arg2[%get3A, %get3A_0, %get3A_1, %get3A_2, %get3A_3] : memref<1x1x59x224x32xf32, #tpu.memory_space<vmem>>, vector<1x1x59x224x32xf32>
    %get3A_5 = vector.shape_cast %get3A_4 : vector<1x1x59x224x32xf32> to vector<59x224x32xf32>
    %get3A_6 = arith.constant 0 : index
    %get3A_7 = arith.constant 0 : index
    %get3A_8 = vector.load %arg3[%get3A_6, %get3A_7] : memref<1x32xf32, #tpu.memory_space<vmem>>, vector<1x32xf32>
    %get3A_9 = vector.shape_cast %get3A_8 : vector<1x32xf32> to vector<32xf32>
    %broadcast_in_dim3A = vector.shape_cast %get3A_9 : vector<32xf32> to vector<1x1x32xf32>
    %mul3A = vector.broadcast %broadcast_in_dim3A : vector<1x1x32xf32> to vector<59x224x32xf32>
    %mul3A_10 = arith.mulf %get3A_5, %mul3A : vector<59x224x32xf32>
    %get3A_11 = arith.constant 0 : index
    %get3A_12 = arith.constant 0 : index
    %get3A_13 = vector.load %arg4[%get3A_11, %get3A_12] : memref<1x32xf32, #tpu.memory_space<vmem>>, vector<1x32xf32>
    %get3A_14 = vector.shape_cast %get3A_13 : vector<1x32xf32> to vector<32xf32>
    %broadcast_in_dim3A_15 = vector.shape_cast %get3A_14 : vector<32xf32> to vector<1x1x32xf32>
    %add3A = vector.broadcast %broadcast_in_dim3A_15 : vector<1x1x32xf32> to vector<59x224x32xf32>
    %add3A_16 = arith.addf %mul3A_10, %add3A : vector<59x224x32xf32>
    %max3A = arith.constant 0.000000e+00 : f32
    %max3A_17 = vector.broadcast %max3A : f32 to vector<59x224x32xf32>
    %max3A_18 = arith.maximumf %add3A_16, %max3A_17 : vector<59x224x32xf32>
    %slice3A = vector.extract_strided_slice %max3A_18 {offsets = [0, 0, 0], sizes = [55, 224, 32], strides = [1, 1, 1]} : vector<59x224x32xf32> to vector<55x224x32xf32>
    %slice3A_19 = vector.extract_strided_slice %max3A_18 {offsets = [1, 0, 0], sizes = [55, 224, 32], strides = [1, 1, 1]} : vector<59x224x32xf32> to vector<55x224x32xf32>
    %slice3A_20 = vector.extract_strided_slice %max3A_18 {offsets = [2, 0, 0], sizes = [55, 224, 32], strides = [1, 1, 1]} : vector<59x224x32xf32> to vector<55x224x32xf32>
    %slice3A_21 = vector.extract_strided_slice %max3A_18 {offsets = [3, 0, 0], sizes = [55, 224, 32], strides = [1, 1, 1]} : vector<59x224x32xf32> to vector<55x224x32xf32>
    %slice3A_22 = vector.extract_strided_slice %max3A_18 {offsets = [4, 0, 0], sizes = [55, 224, 32], strides = [1, 1, 1]} : vector<59x224x32xf32> to vector<55x224x32xf32>
    %concatenate3A = tpu.concatenate %slice3A, %slice3A_19, %slice3A_20, %slice3A_21, %slice3A_22 in 2 : vector<55x224x32xf32>, vector<55x224x32xf32>, vector<55x224x32xf32>, vector<55x224x32xf32>, vector<55x224x32xf32> -> vector<55x224x160xf32>
    %reshape3A = vector.shape_cast %concatenate3A : vector<55x224x160xf32> to vector<12320x160xf32>
    %convert_element_type3A = arith.truncf %reshape3A : vector<12320x160xf32> to vector<12320x160xbf16>
    %convert_element_type3A_23 = arith.extf %convert_element_type3A : vector<12320x160xbf16> to vector<12320x160xf32>
    %sub3A = arith.subf %reshape3A, %convert_element_type3A_23 : vector<12320x160xf32>
    %convert_element_type3A_24 = arith.truncf %sub3A : vector<12320x160xf32> to vector<12320x160xbf16>
    %get3A_25 = arith.constant 0 : index
    %get3A_26 = arith.constant 0 : index
    %get3A_27 = arith.constant 0 : index
    %get3A_28 = vector.load %arg5[%get3A_25, %get3A_26, %get3A_27] : memref<2x160x8xbf16, #tpu.memory_space<vmem>>, vector<1x160x8xbf16>
    %get3A_29 = vector.shape_cast %get3A_28 : vector<1x160x8xbf16> to vector<160x8xbf16>
    %dot_general3A = arith.constant dense<0.000000e+00> : vector<12320x8xf32>
    %dot_general3A_30 = tpu.matmul %convert_element_type3A, %get3A_29, %dot_general3A {dimension_numbers = #tpu.dot_dimension_numbers<[1], [0], [0], [1], [0, 0, 1, 1], [], []>, transpose_lhs_hint = false} : vector<12320x160xbf16>, vector<160x8xbf16>, vector<12320x8xf32> -> vector<12320x8xf32>
    %get3A_31 = arith.constant 1 : index
    %get3A_32 = arith.constant 0 : index
    %get3A_33 = arith.constant 0 : index
    %get3A_34 = vector.load %arg5[%get3A_31, %get3A_32, %get3A_33] : memref<2x160x8xbf16, #tpu.memory_space<vmem>>, vector<1x160x8xbf16>
    %get3A_35 = vector.shape_cast %get3A_34 : vector<1x160x8xbf16> to vector<160x8xbf16>
    %dot_general3A_36 = arith.constant dense<0.000000e+00> : vector<12320x8xf32>
    %dot_general3A_37 = tpu.matmul %convert_element_type3A, %get3A_35, %dot_general3A_36 {dimension_numbers = #tpu.dot_dimension_numbers<[1], [0], [0], [1], [0, 0, 1, 1], [], []>, transpose_lhs_hint = false} : vector<12320x160xbf16>, vector<160x8xbf16>, vector<12320x8xf32> -> vector<12320x8xf32>
    %get3A_38 = arith.constant 0 : index
    %get3A_39 = arith.constant 0 : index
    %get3A_40 = arith.constant 0 : index
    %get3A_41 = vector.load %arg5[%get3A_38, %get3A_39, %get3A_40] : memref<2x160x8xbf16, #tpu.memory_space<vmem>>, vector<1x160x8xbf16>
    %get3A_42 = vector.shape_cast %get3A_41 : vector<1x160x8xbf16> to vector<160x8xbf16>
    %dot_general3A_43 = arith.constant dense<0.000000e+00> : vector<12320x8xf32>
    %dot_general3A_44 = tpu.matmul %convert_element_type3A_24, %get3A_42, %dot_general3A_43 {dimension_numbers = #tpu.dot_dimension_numbers<[1], [0], [0], [1], [0, 0, 1, 1], [], []>, transpose_lhs_hint = false} : vector<12320x160xbf16>, vector<160x8xbf16>, vector<12320x8xf32> -> vector<12320x8xf32>
    %add3A_45 = arith.addf %dot_general3A_37, %dot_general3A_44 : vector<12320x8xf32>
    %add3A_46 = arith.addf %dot_general3A_30, %add3A_45 : vector<12320x8xf32>
    %reshape3A_47 = vector.shape_cast %add3A_46 : vector<12320x8xf32> to vector<55x224x8xf32>
    %iota3A = tpu.iota {dimensions = array<i32: 2>} : vector<1x1x8xi32>
    %broadcast_in_dim3A_48 = arith.constant 0.000000e+00 : f32
    %broadcast_in_dim3A_49 = vector.broadcast %broadcast_in_dim3A_48 : f32 to vector<55x220x8xf32>
    %eq3A = arith.constant 0 : i32
    %eq3A_50 = vector.broadcast %eq3A : i32 to vector<1x1x8xi32>
    %eq3A_51 = arith.cmpi eq, %iota3A, %eq3A_50 : vector<1x1x8xi32>
    %slice3A_52 = vector.extract_strided_slice %reshape3A_47 {offsets = [0, 0, 0], sizes = [55, 220, 8], strides = [1, 1, 1]} : vector<55x224x8xf32> to vector<55x220x8xf32>
    %jit3A = arith.constant 0.000000e+00 : f32
    %broadcast_in_dim3A_53 = vector.shape_cast %eq3A_51 : vector<1x1x8xi1> to vector<1x1x8xi1>
    %broadcast_in_dim3A_54 = vector.broadcast %broadcast_in_dim3A_53 : vector<1x1x8xi1> to vector<55x220x8xi1>
    %broadcast_in_dim3A_55 = vector.broadcast %jit3A : f32 to vector<55x220x8xf32>
    %select_n3A = arith.select %broadcast_in_dim3A_54, %slice3A_52, %broadcast_in_dim3A_55 : vector<55x220x8xi1>, vector<55x220x8xf32>
    %add3A_56 = arith.addf %broadcast_in_dim3A_49, %select_n3A : vector<55x220x8xf32>
    %eq3A_57 = arith.constant 1 : i32
    %eq3A_58 = vector.broadcast %eq3A_57 : i32 to vector<1x1x8xi32>
    %eq3A_59 = arith.cmpi eq, %iota3A, %eq3A_58 : vector<1x1x8xi32>
    %slice3A_60 = vector.extract_strided_slice %reshape3A_47 {offsets = [0, 1, 0], sizes = [55, 220, 8], strides = [1, 1, 1]} : vector<55x224x8xf32> to vector<55x220x8xf32>
    %jit3A_61 = arith.constant 0.000000e+00 : f32
    %broadcast_in_dim3A_62 = vector.shape_cast %eq3A_59 : vector<1x1x8xi1> to vector<1x1x8xi1>
    %broadcast_in_dim3A_63 = vector.broadcast %broadcast_in_dim3A_62 : vector<1x1x8xi1> to vector<55x220x8xi1>
    %broadcast_in_dim3A_64 = vector.broadcast %jit3A_61 : f32 to vector<55x220x8xf32>
    %select_n3A_65 = arith.select %broadcast_in_dim3A_63, %slice3A_60, %broadcast_in_dim3A_64 : vector<55x220x8xi1>, vector<55x220x8xf32>
    %add3A_66 = arith.addf %add3A_56, %select_n3A_65 : vector<55x220x8xf32>
    %eq3A_67 = arith.constant 2 : i32
    %eq3A_68 = vector.broadcast %eq3A_67 : i32 to vector<1x1x8xi32>
    %eq3A_69 = arith.cmpi eq, %iota3A, %eq3A_68 : vector<1x1x8xi32>
    %slice3A_70 = vector.extract_strided_slice %reshape3A_47 {offsets = [0, 2, 0], sizes = [55, 220, 8], strides = [1, 1, 1]} : vector<55x224x8xf32> to vector<55x220x8xf32>
    %jit3A_71 = arith.constant 0.000000e+00 : f32
    %broadcast_in_dim3A_72 = vector.shape_cast %eq3A_69 : vector<1x1x8xi1> to vector<1x1x8xi1>
    %broadcast_in_dim3A_73 = vector.broadcast %broadcast_in_dim3A_72 : vector<1x1x8xi1> to vector<55x220x8xi1>
    %broadcast_in_dim3A_74 = vector.broadcast %jit3A_71 : f32 to vector<55x220x8xf32>
    %select_n3A_75 = arith.select %broadcast_in_dim3A_73, %slice3A_70, %broadcast_in_dim3A_74 : vector<55x220x8xi1>, vector<55x220x8xf32>
    %add3A_76 = arith.addf %add3A_66, %select_n3A_75 : vector<55x220x8xf32>
    %eq3A_77 = arith.constant 3 : i32
    %eq3A_78 = vector.broadcast %eq3A_77 : i32 to vector<1x1x8xi32>
    %eq3A_79 = arith.cmpi eq, %iota3A, %eq3A_78 : vector<1x1x8xi32>
    %slice3A_80 = vector.extract_strided_slice %reshape3A_47 {offsets = [0, 3, 0], sizes = [55, 220, 8], strides = [1, 1, 1]} : vector<55x224x8xf32> to vector<55x220x8xf32>
    %jit3A_81 = arith.constant 0.000000e+00 : f32
    %broadcast_in_dim3A_82 = vector.shape_cast %eq3A_79 : vector<1x1x8xi1> to vector<1x1x8xi1>
    %broadcast_in_dim3A_83 = vector.broadcast %broadcast_in_dim3A_82 : vector<1x1x8xi1> to vector<55x220x8xi1>
    %broadcast_in_dim3A_84 = vector.broadcast %jit3A_81 : f32 to vector<55x220x8xf32>
    %select_n3A_85 = arith.select %broadcast_in_dim3A_83, %slice3A_80, %broadcast_in_dim3A_84 : vector<55x220x8xi1>, vector<55x220x8xf32>
    %add3A_86 = arith.addf %add3A_76, %select_n3A_85 : vector<55x220x8xf32>
    %eq3A_87 = arith.constant 4 : i32
    %eq3A_88 = vector.broadcast %eq3A_87 : i32 to vector<1x1x8xi32>
    %eq3A_89 = arith.cmpi eq, %iota3A, %eq3A_88 : vector<1x1x8xi32>
    %slice3A_90 = vector.extract_strided_slice %reshape3A_47 {offsets = [0, 4, 0], sizes = [55, 220, 8], strides = [1, 1, 1]} : vector<55x224x8xf32> to vector<55x220x8xf32>
    %jit3A_91 = arith.constant 0.000000e+00 : f32
    %broadcast_in_dim3A_92 = vector.shape_cast %eq3A_89 : vector<1x1x8xi1> to vector<1x1x8xi1>
    %broadcast_in_dim3A_93 = vector.broadcast %broadcast_in_dim3A_92 : vector<1x1x8xi1> to vector<55x220x8xi1>
    %broadcast_in_dim3A_94 = vector.broadcast %jit3A_91 : f32 to vector<55x220x8xf32>
    %select_n3A_95 = arith.select %broadcast_in_dim3A_93, %slice3A_90, %broadcast_in_dim3A_94 : vector<55x220x8xi1>, vector<55x220x8xf32>
    %add3A_96 = arith.addf %add3A_86, %select_n3A_95 : vector<55x220x8xf32>
    %reduce_sum3A = arith.constant dense<0.000000e+00> : vector<55x220xf32>
    %reduce_sum3A_97 = vector.multi_reduction <add>, %add3A_96, %reduce_sum3A [2] : vector<55x220x8xf32> to vector<55x220xf32>
    %get3A_98 = arith.constant 0 : index
    %get3A_99 = arith.constant 0 : index
    %get3A_100 = vector.load %arg6[%get3A_98, %get3A_99] : memref<1x1xf32, #tpu.memory_space<vmem>>, vector<1x1xf32>
    %get3A_101 = vector.extract %get3A_100[0, 0] : f32 from vector<1x1xf32>
    %add3A_102 = vector.broadcast %get3A_101 : f32 to vector<55x220xf32>
    %add3A_103 = arith.addf %reduce_sum3A_97, %add3A_102 : vector<55x220xf32>
    %max3A_104 = arith.constant 0.000000e+00 : f32
    %max3A_105 = vector.broadcast %max3A_104 : f32 to vector<55x220xf32>
    %max3A_106 = arith.maximumf %add3A_103, %max3A_105 : vector<55x220xf32>
    %swap3A = arith.constant 0 : index
    %swap3A_107 = arith.constant 0 : index
    %swap3A_108 = arith.constant 0 : index
    %swap3A_109 = arith.constant 0 : index
    %swap3A_110 = vector.load %arg7[%swap3A, %swap3A_107, %swap3A_108, %swap3A_109] : memref<1x1x55x220xf32, #tpu.memory_space<vmem>>, vector<1x1x55x220xf32>
    %swap3A_111 = vector.shape_cast %swap3A_110 : vector<1x1x55x220xf32> to vector<55x220xf32>
    %swap3A_112 = vector.shape_cast %max3A_106 : vector<55x220xf32> to vector<1x1x55x220xf32>
    tpu.vector_store %arg7[%swap3A, %swap3A_107, %swap3A_108, %swap3A_109], %swap3A_112 {strides = array<i32>} : memref<1x1x55x220xf32, #tpu.memory_space<vmem>>, vector<1x1x55x220xf32>,
    return
  }
  func.func @transform_0(%arg0: i32, %arg1: i32) -> (i32, i32, i32, i32, i32) {
    %c0_i32 = arith.constant 0 : i32
    %c0_i32_0 = arith.constant 0 : i32
    %c0_i32_1 = arith.constant 0 : i32
    %c0_i32_2 = arith.constant 0 : i32
    return %arg0, %arg1, %c0_i32, %c0_i32_0, %c0_i32_1 : i32, i32, i32, i32, i32
  }
  func.func @transform_1(%arg0: i32, %arg1: i32) -> (i32, i32) {
    %c0_i32 = arith.constant 0 : i32
    %c0_i32_0 = arith.constant 0 : i32
    %c0_i32_1 = arith.constant 0 : i32
    return %c0_i32, %c0_i32_0 : i32, i32
  }
  func.func @transform_2(%arg0: i32, %arg1: i32) -> (i32, i32) {
    %c0_i32 = arith.constant 0 : i32
    %c0_i32_0 = arith.constant 0 : i32
    %c0_i32_1 = arith.constant 0 : i32
    return %c0_i32, %c0_i32_0 : i32, i32
  }
  func.func @transform_3(%arg0: i32, %arg1: i32) -> (i32, i32, i32) {
    %c0_i32 = arith.constant 0 : i32
    %c0_i32_0 = arith.constant 0 : i32
    %c0_i32_1 = arith.constant 0 : i32
    %c0_i32_2 = arith.constant 0 : i32
    return %c0_i32, %c0_i32_0, %c0_i32_1 : i32, i32, i32
  }
  func.func @transform_4(%arg0: i32, %arg1: i32) -> (i32, i32) {
    %c0_i32 = arith.constant 0 : i32
    %c0_i32_0 = arith.constant 0 : i32
    %c0_i32_1 = arith.constant 0 : i32
    return %c0_i32, %c0_i32_0 : i32, i32
  }
  func.func @transform_5(%arg0: i32, %arg1: i32) -> (i32, i32, i32, i32) {
    %c0_i32 = arith.constant 0 : i32
    %c0_i32_0 = arith.constant 0 : i32
    %c0_i32_1 = arith.constant 0 : i32
    return %arg0, %arg1, %c0_i32, %c0_i32_0 : i32, i32, i32, i32
  }
}

</mosaic_0001>

<sc_bundles>
// kernel: kernel.8.cloned.1.call-start
scs
__scs_entry_jumppad:
0x0: {  	(pc) =	sbr.rel $0x88, $3  }
0x1: {  	(tag) =	ssettag $0x0;
	lr =	simm.s32 $0x1  }
0x2: {  	[smem:$0x3F8B] =	sst lr;
	_ =	strace $0xD0000000  }
0x3: {  	_ = 	snop  }
0x4: {  	_ = 	snop  }
0x5: {  	_ = 	snop  }
0x6: {  	_ = 	snop  }
0x7: {  	_ = 	snop  }
__scs_overlays_trampoline_lowered:
0x8: {  	[smem:$0x3F9A] =	sst s0  }
0x9: {  	[smem:$0x3F9B] =	sst s1  }
0xa: {  	[smem:$0x3F9C] =	sst s2  }
0xb: {  	[smem:$0x3F9D] =	sst s3  }
0xc: {  	[smem:$0x3F9E] =	sst s4  }
0xd: {  	[smem:$0x3F9F] =	sst s5  }
0xe: {  	[smem:$0x3FA0] =	sst s6  }
0xf: {  	[smem:$0x3FA1] =	sst s7  }
0x10: {  	[smem:$0x3FA2] =	sst s8  }
0x11: {  	[smem:$0x3FA3] =	sst s9;
	s0 =	simm.s32 @!p0 $0x0  }
0x12: {  	s1 =	sld [smem:$0x3F89];
	s0 =	simm.s32 @p0 $0x1  }
0x13: {  	[smem:$0x3FA4] =	sst s0;
	s0 =	simm.s32 @!p1 $0x0  }
0x14: {  	s2 =	sld [smem:$0x3F88];
	s0 =	simm.s32 @p1 $0x1  }
0x15: {  	[smem:$0x3FA5] =	sst s0;
	s0 =	simm.s32 @!p2 $0x0  }
0x16: {  	s3 =	sld [smem:$0x3FDB];
	s0 =	simm.s32 @p2 $0x1  }
0x17: {  	s4 =	simm.s32 $0x1BF5;
	[smem:$0x3FA7] =	sst s0  }
0x18: {  	s0 =	sld [smem:$0x3F8A];
	_ =	swait.ge [sflag:s4], $0x0  }
0x19: {  	s7 =	sld [smem:$0x3F8B]  }
0x1a: {  	s8 =	sadd.s32 $0xFFFFE003, lr  }
0x1b: {  	s9 =	sadd.s32 $0xFFFFFEF7, lr;
	s5 =	simm.s32 $0xFFFFFFFF;
	p2 =	slt.u32 s8, $0xFFFFF086  }
0x1c: {  	p1 =	slt.u32 s9, $0xF7A;
	s5 =	simm.s32 @!p2 $0x0  }
0x1d: {  	s5 =	simm.s32 @p1 $0x1;
	p0 =	seq.s32 s7, s2  }
0x1e: {  	s7 =	smul.u32 @!p0 $0xF7A, s2;
	p2 =	seq.s32 @!p0 s5, $0x0  }
0x1f: {  	s9 =	smul.u32 $0xF7A, s1;
	s8 =	simm.s32 @!p0 $0x1BF5;
	p2 =	por !p2, p0  }
0x20: {  	[sflag:s8] =	ssyncset.s32 @!p0 $0xFFFFF086;
	s6 =	sadd.s32 @!p0 s3, s7;
	s7 =	simm.s32 @!p0 $0x108  }
0x21: {  	s3 =	sadd.s32 s3, s9;
	s6 =	sadd.s32 @!p0 $0x88, s6;
	s7 =	simm.s32 @p2 $0x1082  }
0x22: {  	[simem:s7], [sflag:s8] =	dma.local @!p0 [hbm:s6], $0xF7A  }
0x23: {  	s9 =	sor.u32 $0xD0000000, s2;
	s6 =	simm.s32 $0x108;
	_ =	swait.ge @!p0 [sflag:s8], $0x0  }
0x24: {  	s3 =	sadd.s32 $0x88, s3;
	s6 =	simm.s32 @!p1 $0x1082;
	[sflag:s4] =	ssyncset.s32 $0xFFFFF086  }
0x25: {  	[simem:s6], [sflag:s4] =	dma.local [hbm:s3], $0xF7A  }
0x26: {  	[smem:$0x3F8B] =	sst s1;
	(tag) =	ssettag s2;
	_ =	strace s9  }
0x27: {  	s1 =	sld [smem:$0x3F9B]  }
0x28: {  	s2 =	sld [smem:$0x3F9C]  }
0x29: {  	s4 =	sld [smem:$0x3F9E]  }
0x2a: {  	p0 =	seq.s32 s5, $0x0;
	s5 =	sld [smem:$0x3F9F]  }
0x2b: {  	s6 =	sld [smem:$0x3FA0]  }
0x2c: {  	s7 =	sld [smem:$0x3FA1]  }
0x2d: {  	s3 =	simm.s32 $0x108;
	s8 =	sld [smem:$0x3FA2]  }
0x2e: {  	s3 =	simm.s32 @!p0 $0x1082;
	s9 =	sld [smem:$0x3FA3]  }
0x2f: {  	lr =	sadd.s32 s0, s3;
	s0 =	sld [smem:$0x3F9A]  }
0x30: {  	s3 =	sld [smem:$0x3F9D]  }
0x31: {  	[smem:$0x3FA6] =	sst s10  }
0x32: {  	s10 =	sld [smem:$0x3FA4];
	_ =	sdelay $0x3  }
0x33: {  	p0 =	seq.s32 s10, $0x1;
	s10 =	sld [smem:$0x3FA6];
	_ =	sdelay $0x3  }
0x34: {  	[smem:$0x3FA6] =	sst s10  }
0x35: {  	s10 =	sld [smem:$0x3FA5];
	_ =	sdelay $0x3  }
0x36: {  	p1 =	seq.s32 s10, $0x1;
	s10 =	sld [smem:$0x3FA6];
	_ =	sdelay $0x3  }
0x37: {  	[smem:$0x3FA6] =	sst s10  }
0x38: {  	s10 =	sld [smem:$0x3FA7]  }
0x39: {  	_ = 	snop;
	(pc) =	sbr.ind lr, $3  }
0x3a: {  	_ = 	snop  }
0x3b: {  	_ = 	snop  }
0x3c: {  	p2 =	seq.s32 s10, $0x1;
	s10 =	sld [smem:$0x3FA6]  }
0x3d: {  	_ =	shalt  }
0x3e: {  	_ =	shalt  }
0x3f: {  	_ =	shalt  }
0x40: {  	_ =	shalt  }
0x41: {  	_ =	shalt  }
0x42: {  	_ =	shalt  }
0x43: {  	_ =	shalt  }
0x44: {  	_ =	shalt  }
0x45: {  	_ =	shalt  }
0x46: {  	_ =	shalt  }
0x47: {  	_ =	shalt  }
0x48: {  	_ =	shalt  }
0x49: {  	_ =	shalt  }
0x4a: {  	_ =	shalt  }
0x4b: {  	_ =	shalt  }
0x4c: {  	_ =	shalt  }
0x4d: {  	_ =	shalt  }
0x4e: {  	_ =	shalt  }
0x4f: {  	_ =	shalt  }
0x50: {  	_ =	shalt  }
0x51: {  	_ =	shalt  }
0x52: {  	_ =	shalt  }
0x53: {  	_ =	shalt  }
0x54: {  	_ =	shalt  }
0x55: {  	_ =	shalt  }
0x56: {  	_ =	shalt  }
0x57: {  	_ =	shalt  }
0x58: {  	_ =	shalt  }
0x59: {  	_ =	shalt  }
0x5a: {  	_ =	shalt  }
0x5b: {  	_ =	shalt  }
0x5c: {  	_ =	shalt  }
0x5d: {  	_ =	shalt  }
0x5e: {  	_ =	shalt  }
0x5f: {  	_ =	shalt  }
0x60: {  	_ =	shalt  }
0x61: {  	_ =	shalt  }
0x62: {  	_ =	shalt  }
0x63: {  	_ =	shalt  }
0x64: {  	_ =	shalt  }
0x65: {  	_ =	shalt  }
0x66: {  	_ =	shalt  }
0x67: {  	_ =	shalt  }
0x68: {  	_ =	shalt  }
0x69: {  	_ =	shalt  }
0x6a: {  	_ =	shalt  }
0x6b: {  	_ =	shalt  }
0x6c: {  	_ =	shalt  }
0x6d: {  	_ =	shalt  }
0x6e: {  	_ =	shalt  }
0x6f: {  	_ =	shalt  }
0x70: {  	_ =	shalt  }
0x71: {  	_ =	shalt  }
0x72: {  	_ =	shalt  }
0x73: {  	_ =	shalt  }
0x74: {  	_ =	shalt  }
0x75: {  	_ =	shalt  }
0x76: {  	_ =	shalt  }
0x77: {  	_ =	shalt  }
0x78: {  	_ =	shalt  }
0x79: {  	_ =	shalt  }
0x7a: {  	_ =	shalt  }
0x7b: {  	_ =	shalt  }
0x7c: {  	_ =	shalt  }
0x7d: {  	_ =	shalt  }
0x7e: {  	_ =	shalt  }
0x7f: {  	_ =	shalt  }
0x80: {  	_ =	shalt  }
0x81: {  	_ =	shalt  }
0x82: {  	_ =	shalt  }
0x83: {  	_ =	shalt  }
0x84: {  	_ =	shalt  }
0x85: {  	_ =	shalt  }
0x86: {  	_ =	shalt  }
0x87: {  	_ =	shalt  }
.Lfunc_end0:
.L_simem_size_0:
called_computation_lowered:
.L_overlay_start_0:
0x88: {  	s2 =	sld [smem:$0x3FD9]  }
0x89: {  	s3 =	sld [smem:$0x3FFE];
	_ =	sdelay $0x1  }
0x8a: {  	s1 =	srdreg.scid  }
0x8b: {  	s0 =	sand.u32 $0x1, s1  }
0x8c: {  	s14 =	sshll.u32 s0, $0xA;
	s2 =	sadd.s32 s3, s2  }
0x8d: {  	s2 =	sadd.s32 s2, s14  }
0x8e: {  	[smem:$0x3FB2] =	sst s2  }
0x8f: {  	_ = 	snop  }
0x90: {  	s2 =	sld [smem:$0x3FD0];
	_ =	sdelay $0x2  }
0x91: {  	s4 =	simm.s32 $0xA;
	s5 =	simm.s32 $0x10;
	s15 =	sld [smem:$0x3FC2]  }
0x92: {  	[smem:s5], [sflag:s4] =	dma.local [hbm:s2], $0x1  }
0x93: {  	_ =	swait.eq [sflag:s4], $0x1  }
0x94: {  	[sflag:s4] =	ssyncset.done $0x0  }
0x95: {  	[sflag:s4] =	ssyncadd.s32 $0xFFFFFFFF  }
0x96: {  	s16 =	sld [smem:$0x13];
	(tm) =	ssettm $0x1  }
0x97: {  	s17 =	sld [smem:$0x3FFB];
	_ =	sdelay $0x3  }
0x98: {  	_ =	strace s17  }
0x99: {  	s4 =	sld [smem:$0x3FFC];
	_ =	sdelay $0x3  }
0x9a: {  	_ =	strace s4  }
0x9b: {  	s4 =	sld [smem:$0x3FFD];
	_ =	sdelay $0x3  }
0x9c: {  	_ =	strace s4  }
0x9d: {  	_ =	strace $0x8FFFFFFF  }
0x9e: {  	s18 =	sld [smem:$0x3FDB];
	_ =	sdelay $0x1  }
0x9f: {  	s19 =	simm.s32 $_scs_section_size  }
0xa0: {  	s6 =	simm.s32 $_size__tile_overlayer_lowered;
	s7 =	simm.s32 $_tile_overlayer_lowered  }
0xa1: {  	s22 =	simm.s32 $0x1BFF;
	s21 =	sshll.u32 s7, $0x1;
	s4 =	sadd.s32 s19, s18  }
0xa2: {  	s8 =	simm.s32 $0x0;
	s20 =	sshll.u32 s6, $0x1;
	s6 =	sadd.s32 s21, s4  }
0xa3: {  	[timem:s8], [sflag:s22] =	dma.local [hbm:s6], s20  }
0xa4: {  	_ =	swait.ge [sflag:s22], s20  }
0xa5: {  	s5 =	ssub.s32 $0x0, s20;
	[sflag:s22] =	ssyncset.done $0x0  }
0xa6: {  	[sflag:s22] =	ssyncadd.s32 s5;
	_ =	sdelay $0x1  }
0xa7: {  	s23 =	simm.s32 $0x1B8B  }
0xa8: {  	_ =	swait.ge [sflag:s23], $0x1  }
0xa9: {  	[sflag:s23] =	ssyncset.done $0x0  }
0xaa: {  	s25 =	simm.s32 $0x1B8E;
	s24 =	sld [smem:$0x3FFE];
	[sflag:s23] =	ssyncadd.s32 $0xFFFFFFFF  }
0xab: {  	s26 =	simm.s32 $execute0_lowered;
	[smem:$0x3FD2] =	sst s25  }
0xac: {  	s6 =	sshll.u32 s26, $0x1;
	_ =	strace $0x80000046;
	[dreg:$0x1] =	wrdreg $0xFFFFFFFF  }
0xad: {  	s28 =	simm.s32 $_size_execute0_lowered;
	s4 =	sadd.s32 s4, s6;
	[dreg:$0x0] =	wrdreg $0x0  }
0xae: {  	s6 =	sshll.u32 s28, $0x1;
	[dreg:$0x2] =	wrdreg s4  }
0xaf: {  	[dreg:$0x3] =	wrdreg s6  }
0xb0: {  	[dreg:$0x4] =	wrdreg $0xC0  }
0xb1: {  	_ =	task [dreg:s8], $0x5FFFF  }
0xb2: {  	[dreg:$0x1] =	wrdreg $0xFFFFFFFF  }
0xb3: {  	[dreg:$0x0] =	wrdreg $0x60  }
0xb4: {  	[dreg:$0x2] =	wrdreg s15  }
0xb5: {  	[dreg:$0x3] =	wrdreg s16  }
0xb6: {  	[dreg:$0x4] =	wrdreg s24  }
0xb7: {  	[dreg:$0x5] =	wrdreg $0x9  }
0xb8: {  	_ =	task.clear_ibuf [dreg:s8], $0x6FFFF;
	_ =	strace $0x90000046  }
0xb9: {  	s29 =	simm.s32 $0x9;
	_ =	strace $0x80000048  }
0xba: {  	_ =	swait.ge [sflag:s29], $0x1  }
0xbb: {  	[sflag:s29] =	ssyncadd.s32 $0xFFFFFFFF  }
0xbc: {  	_ =	strace $0x90000048  }
0xbd: {  	_ =	sfence  }
0xbe: {  	s30 =	sld [smem:$0x0];
	_ =	sdelay $0x2  }
0xbf: {  	s31 =	sshll.u32 s1, $0xD;
	s1 =	sshrl.u32 s1, $0x2  }
0xc0: {  	s3 =	sand.u32 $0x4000, s31;
	s1 =	sadd.s32 s1, s30  }
0xc1: {  	s0 =	sor.u32 s3, s0;
	s1 =	sshll.u32 s1, $0x11  }
0xc2: {  	s0 =	sor.u32 s1, s0  }
0xc3: {  	s0 =	sadd.s32 $0x8F2B, s0  }
0xc4: {  	[sflag:s0] =	ssyncadd.remote.s32 $0x1  }
0xc5: {  	_ =	sfence.sel $0xFFFF  }
0xc6: {  	[dreg:$0x0] =	wrdreg $0xFFFFFFFF;
	(pc) =	sbr.abs _section_cstart, $3  }
0xc7: {  	[dreg:$0x1] =	wrdreg $0xFFFFFFFF  }
0xc8: {  	_ =	task.clear_ibuf [dreg:s8], $0x2FFFF;
	_ =	strace $0x9FFFFFFF  }
0xc9: {  	(tm) =	ssettm $0x7FFFFFFF  }
tec
execute0_lowered:
.L_overlay_start_1:
0x0: {  	(tag) =	ssettag $0x1  }
0x1: {  	s1 =	rddreg [dreg:$0x0]  }
0x2: {  	s2 =	srdreg.scid;
	s0 =	stileid.u32  }
0x3: {  	s4 =	rddreg [dreg:$0x1];
	s6 =	sand.u32 $0x1, s2;
	s30 =	sshll.u32 s0, $0x1  }
0x4: {  	s9 =	rddreg [dreg:$0x2];
	s3 =	simm.s32 $0x0;
	s7 =	sor.u32 s6, s30  }
0x5: {  	s8 =	simm.s32 $0x1;
	[smem:$0x7FF] =	sst s3;
	s5 =	smul.u32 $0x19, s7  }
0x6: {  	s2 =	rddreg [dreg:$0x3];
	_ =	strace $0x80000047;
	s11 =	ssub.s32 $0x2, s6  }
0x7: {  	s6 =	simm.s32 $0xC8;
	s5 =	sadd.s32 s4, s5;
	s4 =	simm.s32 $0x2  }
0x8: {  	[tilespmem:s3], [sflag:$0x2] =	stream.linear.gather [hbm4b:s5+s3], $0xC8, $0x38;
	[tilespmem:$0x6500] =	vst v63  }
0x9: {  	s10 =	smul.u32 $0xC80, s7;
	s12 =	sshrl.u32 s11, $0x1;
	_ =	swait.ge [sflag:s4], $0xC8  }
0xa: {  	s7 =	simm.s32 $0x100;
	s31 =	ssub.s32 s11, s12;
	[sflag:s4] =	ssyncset.done $0x0  }
0xb: {  	s9 =	sadd.s32 s10, s9;
	s10 =	smax.u32 s31, $0x1;
	[sflag:s4] =	ssyncadd.s32 $0xFFFFFF38  }
0xc: {  	[tilespmem:s7], [sflag:$0x1] =	stream.indirect.gather [hbm4b:s1+s6], $0x80, s3, s6, $0xb8;
	[tilespmem:$0x6500] =	vst v63  }
0xd: {  	p0 =	sne.s32 s10, $0x1;
	_ =	swait.ge [sflag:s8], $0x6400  }
.Ltmp0:
0xe: {  	[sflag:s8] =	ssyncset.done $0x0;
	(pc) =	sbr.rel @!p0 .LBB2_2-.Ltmp0, $4  }
0xf: {  	s9 =	sadd.s32 $0x3C00, s9;
	[sflag:s8] =	ssyncadd.s32 $0xFFFF9C00  }
0x10: {  	[hbm4b:s9+s3] =	stream.linear.scatter [tilespmem:s7], [sflag:$0x2], $0x6400, $0x38;
	[tilespmem:$0x6500] =	vst v63  }
0x11: {  	_ =	swait.ge [sflag:s4], $0x6400  }
0x12: {  	s10 =	sadd.s32 $0xFFFFFFFF, s10;
	[sflag:s4] =	ssyncset.done $0x0  }
.LBB2_1:
0x13: {  	p0 =	sne.s32 s10, $0x1;
	s10 =	sadd.s32 $0xFFFFFFFF, s10;
	[sflag:s4] =	ssyncadd.s32 $0xFFFF9C00  }
0x14: {  	[tilespmem:s3], [sflag:$0x2] =	stream.linear.gather [hbm4b:s5+s3], $0xC8, $0x38;
	[tilespmem:$0x6500] =	vst v63  }
0x15: {  	_ =	swait.ge [sflag:s4], $0xC8  }
0x16: {  	[sflag:s4] =	ssyncset.done $0x0  }
0x17: {  	[sflag:s4] =	ssyncadd.s32 $0xFFFFFF38  }
0x18: {  	[tilespmem:s7], [sflag:$0x1] =	stream.indirect.gather [hbm4b:s1+s6], $0x80, s3, s6, $0xb8;
	[tilespmem:$0x6500] =	vst v63  }
0x19: {  	_ =	swait.ge [sflag:s8], $0x6400  }
.Ltmp1:
0x1a: {  	[sflag:s8] =	ssyncset.done $0x0;
	(pc) =	sbr.rel @p0 .LBB2_1-.Ltmp1, $4  }
0x1b: {  	[sflag:s8] =	ssyncadd.s32 $0xFFFF9C00  }
0x1c: {  	[hbm4b:s9+s3] =	stream.linear.scatter [tilespmem:s7], [sflag:$0x2], $0x6400, $0x38;
	[tilespmem:$0x6500] =	vst v63  }
0x1d: {  	_ =	swait.ge [sflag:s4], $0x6400  }
0x1e: {  	[sflag:s4] =	ssyncset.done $0x0  }
.LBB2_2:
0x1f: {  	[sflag:s4] =	ssyncadd.s32 $0xFFFF9C00  }
0x20: {  	_ =	sfence.sel $0x180000  }
0x21: {  	[bflag:$0x0] =	sbarrier.arrive $0xFFFF  }
0x22: {  	p0 =	sne.s32 s0, $0x0;
	_ =	strace $0x90000047  }
0x23: {  	s0 =	sadd.s32 @!p0 $0x100000, s2;
	[bflag:$0x2] =	sbarrier.arrive $0xFFFF  }
0x24: {  	[sflag:s0] =	ssyncadd.tile.s32 @!p0 $0x1;
	_ =	shalt  }
.Lfunc_end2:
_tile_overlayer_lowered:
.L_overlay_start_2:
0x25: {  	(tag) =	ssettag $0x2  }
0x26: {  	s0 =	rddreg [dreg:$0x0];
	s2 =	stileid.u32  }
0x27: {  	s1 =	rddreg [dreg:$0x1];
	p0 =	sne.s32 s2, $0x0  }
0x28: {  	s3 =	rddreg [dreg:$0x2];
	[bflag:$0x3] =	sbarrier.arrive $0xFFFF;
	s2 =	simm.s32 @!p0 $0x1C02  }
0x29: {  	[timem:s3], [sflag:s2] =	dma.local @!p0 [hbm:s0], s1  }
0x2a: {  	s0 =	simm.s32 @!p0 $0x2  }
0x2b: {  	_ =	swait.ge @!p0 [sflag:s0], s1  }
0x2c: {  	s1 =	ssub.s32 @!p0 $0x0, s1;
	[sflag:s0] =	ssyncset.done @!p0 $0x0  }
0x2d: {  	[sflag:s0] =	ssyncadd.s32 @!p0 s1  }
0x2e: {  	[bflag:$0x3] =	sbarrier.arrive $0xFFFF  }
0x2f: {  	_ =	shalt  }

</sc_bundles>
